<compile_context>
chip_gen: v7x
topology: tpu7x:2x2x1
jax: 0.10.2.dev20260603
libtpu: 0.0.44.dev20260713+nightly
codegen_flags: <defaults>
</compile_context>

<pallas_src>
import functools

import jax
import jax.numpy as jnp
from jax import lax
from jax.experimental import pallas as pl
from jax.experimental.pallas import tpu as pltpu
from jax.experimental.pallas import tpu_sc as plsc

N = 10000
E = 320000
H = 128
HW = H // 2
NC, NS, LANES = 2, 16, 16
NW = NC * NS
EPW = E // NW
GC = 80
NGC = EPW // GC
SC2 = 2000
NSC2 = EPW // SC2
G16 = SC2 // LANES
EH = E // 2

_SC_MESH = plsc.VectorSubcoreMesh(core_axis_name="c", subcore_axis_name="s")


def _pack_bf16_pairs(p):
    b = lax.bitcast_convert_type(p, jnp.int32)
    r = (b + 0x7FFF + ((b >> 16) & 1)) >> 16
    lo = r[:, :HW] & 0xFFFF
    hi = r[:, HW:] << 16
    return hi | lo


def _unpack_bf16_pairs(g):
    f_lo = lax.bitcast_convert_type(g << 16, jnp.float32)
    f_hi = lax.bitcast_convert_type((g >> 16) << 16, jnp.float32)
    return jnp.concatenate([f_lo, f_hi], axis=1)


def _precompute_body(cond_ref, wc1_ref, bc1_ref, be2_ref, t_ref,
                     psp_ref, pdp_ref, bias_ref):
    cnd = cond_ref[...]
    wa = wc1_ref[0:128, :]
    wts = wc1_ref[127:128, :]
    wb = wc1_ref[128:256, :]
    wtd = wc1_ref[255:256, :]
    wc = wc1_ref[256:288, :]
    ps = jnp.dot(cnd, wa, preferred_element_type=jnp.float32, precision=lax.Precision.HIGHEST)
    pd = jnp.dot(cnd, wb, preferred_element_type=jnp.float32, precision=lax.Precision.HIGHEST)
    psp_ref[...] = _pack_bf16_pairs(ps)
    pdp_ref[...] = _pack_bf16_pairs(pd)
    bias_ref[...] = (bc1_ref[...]
                     + jnp.dot(be2_ref[...], wc,
                               preferred_element_type=jnp.float32, precision=lax.Precision.HIGHEST)
                     + t_ref[...] * (wts + wtd))


_precompute = pl.pallas_call(
    _precompute_body,
    out_shape=[jax.ShapeDtypeStruct((N, HW), jnp.int32),
               jax.ShapeDtypeStruct((N, HW), jnp.int32),
               jax.ShapeDtypeStruct((1, H), jnp.float32)],
)


GCH = GC // 2
EPWH = EPW // 2


@functools.partial(
    pl.kernel,
    out_type=jax.ShapeDtypeStruct((EH, H), jnp.int32),
    mesh=_SC_MESH,
    scratch_types=[
        pltpu.VMEM((GC,), jnp.int32), pltpu.VMEM((GC,), jnp.int32),
        pltpu.VMEM((GC,), jnp.int32), pltpu.VMEM((GC,), jnp.int32),
        pltpu.VMEM((GC, HW), jnp.int32), pltpu.VMEM((GC, HW), jnp.int32),
        pltpu.VMEM((GC, HW), jnp.int32), pltpu.VMEM((GC, HW), jnp.int32),
        pltpu.VMEM((GCH, H), jnp.int32), pltpu.VMEM((GCH, H), jnp.int32),
        pltpu.SemaphoreType.DMA, pltpu.SemaphoreType.DMA,
        pltpu.SemaphoreType.DMA, pltpu.SemaphoreType.DMA,
        pltpu.SemaphoreType.DMA, pltpu.SemaphoreType.DMA,
        pltpu.SemaphoreType.DMA, pltpu.SemaphoreType.DMA,
        pltpu.SemaphoreType.DMA, pltpu.SemaphoreType.DMA,
    ],
    compiler_params=pltpu.CompilerParams(use_tc_tiling_on_sc=False,
                                         needs_layout_passes=False),
)
def _gather_kernel(psp_hbm, pdp_hbm, src_hbm, dst_hbm, gsum_hbm,
                   is0, is1, id0, id1, bs0, bs1, bd0, bd1, b20, b21,
                   sis0, sis1, sid0, sid1, sgs0, sgs1, sgd0, sgd1,
                   sw0, sw1):
    wid = lax.axis_index("s") * NC + lax.axis_index("c")
    base = wid * EPW
    baseh = wid * EPWH
    IS, ID = (is0, is1), (id0, id1)
    BS, BD = (bs0, bs1), (bd0, bd1)
    B2 = (b20, b21)
    SIS, SID = (sis0, sis1), (sid0, sid1)
    SGS, SGD = (sgs0, sgs1), (sgd0, sgd1)
    SW = (sw0, sw1)

    def idx_cp(b, c):
        off = base + c * GC
        return (pltpu.make_async_copy(src_hbm.at[pl.ds(off, GC)], IS[b], SIS[b]),
                pltpu.make_async_copy(dst_hbm.at[pl.ds(off, GC)], ID[b], SID[b]))

    def issue_idx(b, c):
        c1, c2 = idx_cp(b, c)
        c1.start()
        c2.start()

    def wait_idx(b):
        c1, c2 = idx_cp(b, 0)
        c1.wait()
        c2.wait()

    def gath(b):
        return (pltpu.make_async_copy(psp_hbm.at[IS[b]], BS[b], SGS[b]),
                pltpu.make_async_copy(pdp_hbm.at[ID[b]], BD[b], SGD[b]))

    def issue_g(b):
        g1, g2 = gath(b)
        g1.start()
        g2.start()

    def wait_g(b):
        g1, g2 = gath(b)
        g1.wait()
        g2.wait()

    def combine(b):
        bs, bd, b2 = BS[b], BD[b], B2[b]

        def row(r, carry):
            for half in (0, 1):
                for k in range(4):
                    s_w = bs[2 * r + half, pl.ds(k * LANES, LANES)]
                    d_w = bd[2 * r + half, pl.ds(k * LANES, LANES)]
                    s_bf = plsc.bitcast(s_w, jnp.bfloat16)
                    d_bf = plsc.bitcast(d_w, jnp.bfloat16)
                    b2[r, pl.ds(half * HW + k * LANES, LANES)] = (
                        plsc.bitcast(s_bf + d_bf, jnp.int32))
            return carry

        lax.fori_loop(0, GCH, row, 0)

    def wr_cp(b, c):
        offh = baseh + c * GCH
        return pltpu.make_async_copy(B2[b], gsum_hbm.at[pl.ds(offh, GCH)],
                                     SW[b])

    def write(b, c):
        combine(b)
        offh = baseh + c * GCH
        pltpu.sync_copy(B2[b], gsum_hbm.at[pl.ds(offh, GCH)])

    issue_idx(0, 0)
    wait_idx(0)
    issue_g(0)
    issue_idx(1, 1)

    def pair(j, carry):
        c = 2 * j + 1
        wait_idx(1)
        issue_g(1)
        wait_g(0)
        write(0, c - 1)
        issue_idx(0, c + 1)
        wait_idx(0)
        issue_g(0)
        wait_g(1)
        write(1, c)

        @pl.when(j < (NGC // 2) - 1)
        def _():
            issue_idx(1, c + 2)

        return carry

    lax.fori_loop(0, NGC // 2, pair, 0)
    wait_g(0)
    write(0, NGC - 1)


BEH = 2000


def _edge_body(gsum_ref, d_ref, we1_ref, be1_ref, we2_ref, wc1c_ref,
               wc2_ref, bias_ref, c_ref):
    g = gsum_ref[...]
    glo = lax.bitcast_convert_type(g << 16, jnp.float32)
    ghi = lax.bitcast_convert_type((g >> 16) << 16, jnp.float32)
    wcomb = jnp.dot(we2_ref[...], wc1c_ref[...],
                    preferred_element_type=jnp.float32,
                    precision=lax.Precision.HIGHEST)
    d2 = d_ref[...]
    bias = bias_ref[...]
    cs = []
    for p in (0, 1):
        gsd = jnp.concatenate([glo[:, p * HW:p * HW + HW],
                               ghi[:, p * HW:p * HW + HW]], axis=1)
        a = d2[:, p:p + 1] * we1_ref[...] + be1_ref[...]
        sa = a * jax.nn.sigmoid(a)
        q = jnp.dot(sa, wcomb, preferred_element_type=jnp.float32,
                    precision=lax.Precision.HIGHEST)
        u = gsd + q + bias
        su = u * jax.nn.sigmoid(u)
        cs.append(jnp.dot(su, wc2_ref[...], preferred_element_type=jnp.float32,
                          precision=lax.Precision.HIGHEST))
    c_ref[...] = jnp.concatenate(cs, axis=1)


_edge_epilogue = pl.pallas_call(
    _edge_body,
    grid=(EH // BEH,),
    in_specs=[
        pl.BlockSpec((BEH, H), lambda i: (i, 0)),
        pl.BlockSpec((BEH, 2), lambda i: (i, 0)),
        pl.BlockSpec((1, 32), lambda i: (0, 0)),
        pl.BlockSpec((1, 32), lambda i: (0, 0)),
        pl.BlockSpec((32, 32), lambda i: (0, 0)),
        pl.BlockSpec((32, H), lambda i: (0, 0)),
        pl.BlockSpec((H, 1), lambda i: (0, 0)),
        pl.BlockSpec((1, H), lambda i: (0, 0)),
    ],
    out_specs=pl.BlockSpec((BEH, 2), lambda i: (i, 0)),
    out_shape=jax.ShapeDtypeStruct((EH, 2), jnp.float32),
)


@functools.partial(
    pl.kernel,
    out_type=jax.ShapeDtypeStruct((NW * 3 * N,), jnp.float32),
    mesh=_SC_MESH,
    scratch_types=[
        pltpu.VMEM((N,), jnp.float32),
        pltpu.VMEM((N,), jnp.float32),
        pltpu.VMEM((N,), jnp.float32),
        pltpu.VMEM((N,), jnp.float32),
        pltpu.VMEM((N,), jnp.float32),
        pltpu.VMEM((N,), jnp.float32),
        pltpu.VMEM((SC2,), jnp.int32),
        pltpu.VMEM((SC2,), jnp.int32),
        pltpu.VMEM((SC2,), jnp.float32),
    ],
    compiler_params=pltpu.CompilerParams(needs_layout_passes=False),
)
def _scatter_kernel(xt_hbm, src_hbm, dst_hbm, c_hbm, out_hbm,
                    xv, yv, zv, ax, ay, az, sv, dv, cv):
    wid = lax.axis_index("s") * NC + lax.axis_index("c")
    base = wid * EPW
    pltpu.sync_copy(xt_hbm.at[pl.ds(0, N)], xv)
    pltpu.sync_copy(xt_hbm.at[pl.ds(N, N)], yv)
    pltpu.sync_copy(xt_hbm.at[pl.ds(2 * N, N)], zv)
    zeros = jnp.zeros((LANES,), jnp.float32)

    def zbody(i, carry):
        ax[pl.ds(i * LANES, LANES)] = zeros
        ay[pl.ds(i * LANES, LANES)] = zeros
        az[pl.ds(i * LANES, LANES)] = zeros
        return carry

    lax.fori_loop(0, N // LANES, zbody, 0)

    def chunk(ci, carry):
        off = base + ci * SC2
        pltpu.sync_copy(src_hbm.at[pl.ds(off, SC2)], sv)
        pltpu.sync_copy(dst_hbm.at[pl.ds(off, SC2)], dv)
        pltpu.sync_copy(c_hbm.at[pl.ds(off, SC2)], cv)

        def grp(g, c2):
            s = sv[pl.ds(g * LANES, LANES)]
            dd = dv[pl.ds(g * LANES, LANES)]
            xs = plsc.load_gather(xv, [s])
            xd = plsc.load_gather(xv, [dd])
            ys = plsc.load_gather(yv, [s])
            yd = plsc.load_gather(yv, [dd])
            zs = plsc.load_gather(zv, [s])
            zd = plsc.load_gather(zv, [dd])
            dx = xs - xd
            dy = ys - yd
            dz = zs - zd
            n2 = jnp.maximum(dx * dx + dy * dy + dz * dz,
                             jnp.float32(1e-16))
            ib = plsc.bitcast(n2, jnp.int32)
            yb = jnp.int32(0x5F3759DF) - lax.shift_right_logical(ib, 1)
            yr = plsc.bitcast(yb, jnp.float32)
            yr = yr * (1.5 - 0.5 * n2 * yr * yr)
            yr = yr * (1.5 - 0.5 * n2 * yr * yr)
            yr = yr * (1.5 - 0.5 * n2 * yr * yr)
            cc = cv[pl.ds(g * LANES, LANES)]
            s_c = cc * yr
            plsc.addupdate_scatter(ax, [dd], s_c * dx)
            plsc.addupdate_scatter(ay, [dd], s_c * dy)
            plsc.addupdate_scatter(az, [dd], s_c * dz)
            return c2

        lax.fori_loop(0, G16, grp, 0)
        return carry

    lax.fori_loop(0, NSC2, chunk, 0)
    obase = wid * (3 * N)
    pltpu.sync_copy(ax, out_hbm.at[pl.ds(obase, N)])
    pltpu.sync_copy(ay, out_hbm.at[pl.ds(obase + N, N)])
    pltpu.sync_copy(az, out_hbm.at[pl.ds(obase + 2 * N, N)])


def _reduce_body(part_ref, xt_ref, o_ref):
    o_ref[...] = xt_ref[...] + jnp.sum(part_ref[...], axis=0)


_reduce = pl.pallas_call(
    _reduce_body,
    out_shape=jax.ShapeDtypeStruct((3, N), jnp.float32),
)


def kernel(x_t, cond, t, edge_index, edge_dist, Wn1, bn1, Wn2, bn2,
           Wc1, bc1, Wc2, We1, be1, We2, be2):
    B = x_t.shape[0]
    src = edge_index[0]
    dst = edge_index[1]
    x3n = x_t.reshape(N, 3).T
    tsc = jnp.full((1, 1), t, dtype=jnp.float32)

    cond0 = jnp.concatenate(
        [cond.reshape(N, H - 1), jnp.zeros((N, 1), jnp.float32)], axis=1)
    psp, pdp, bias = _precompute(cond0, Wc1,
                                 bc1.reshape(1, H), be2.reshape(1, 32), tsc)
    gsum = _gather_kernel(psp, pdp, src, dst)
    c = _edge_epilogue(gsum, edge_dist.reshape(EH, 2), We1.reshape(1, 32),
                       be1.reshape(1, 32), We2, Wc1[256:288], Wc2,
                       bias)
    partials = _scatter_kernel(x3n.reshape(3 * N), src, dst,
                               c.reshape(E))
    out3n = _reduce(partials.reshape(NW, 3, N), x3n)
    return out3n.T.reshape(B, N, 3)

# --- scband reference (transcript-rebuilt; emitter-appended) ---
"""Pipeline reference for scband-equivariant-diffuser-v47-42374147342909 (READ-ONLY COPY).

The authoritative reference and input builder live on the scoring server;
editing this copy changes nothing except your own understanding.
"""

import jax, jax.numpy as jnp
import numpy as np


def _silu(x):
    return x * jax.nn.sigmoid(x)


def setup_inputs(seed: int = 0) -> dict:
    key = jax.random.key(seed)
    ks = jax.random.split(key, 16)
    B, N, E = 1, 10000, 320000
    dim_single = 127
    node_dim = dim_single + 1  # 128
    hidden = 128
    edge_dim = 32
    min_in = node_dim * 2 + edge_dim  # 288
    s = 0.05
    inp = {}
    inp["x_t"] = jax.random.normal(ks[0], (B, N, 3), dtype=jnp.float32)
    inp["cond"] = jax.random.normal(ks[1], (B, N, dim_single), dtype=jnp.float32)
    inp["t"] = 500
    inp["edge_index"] = jax.random.randint(ks[2], (2, E), 0, N, dtype=jnp.int32)
    inp["edge_dist"] = jax.random.uniform(ks[3], (E,), dtype=jnp.float32)
    # node_mlp: Linear(288,128) -> SiLU -> Linear(128,128)
    inp["Wn1"] = jax.random.normal(ks[4], (min_in, hidden), dtype=jnp.float32) * s
    inp["bn1"] = jnp.zeros((hidden,), dtype=jnp.float32)
    inp["Wn2"] = jax.random.normal(ks[5], (hidden, node_dim), dtype=jnp.float32) * s
    inp["bn2"] = jnp.zeros((node_dim,), dtype=jnp.float32)
    # coord_mlp: Linear(288,128) -> SiLU -> Linear(128,1,bias=False)
    inp["Wc1"] = jax.random.normal(ks[6], (min_in, hidden), dtype=jnp.float32) * s
    inp["bc1"] = jnp.zeros((hidden,), dtype=jnp.float32)
    inp["Wc2"] = jax.random.normal(ks[7], (hidden, 1), dtype=jnp.float32) * s
    # edge_mlp: Linear(1,32) -> SiLU -> Linear(32,32)
    inp["We1"] = jax.random.normal(ks[8], (1, edge_dim), dtype=jnp.float32) * s
    inp["be1"] = jnp.zeros((edge_dim,), dtype=jnp.float32)
    inp["We2"] = jax.random.normal(ks[9], (edge_dim, edge_dim), dtype=jnp.float32) * s
    inp["be2"] = jnp.zeros((edge_dim,), dtype=jnp.float32)
    return inp


def reference(x_t, cond, t, edge_index, edge_dist, Wn1, bn1, Wn2, bn2, Wc1, bc1, Wc2, We1, be1, We2, be2):
    B, N, _ = x_t.shape
    t_tensor = jnp.full((B, N, 1), t, dtype=jnp.float32)
    h = jnp.concatenate([cond, t_tensor], axis=-1)
    h_flat = h.reshape(B * N, -1)
    x_flat = x_t.reshape(B * N, 3)
    src = edge_index[0]
    dst = edge_index[1]
    # edge_mlp
    ea = _silu(edge_dist[:, None] @ We1 + be1)
    edge_attr = ea @ We2 + be2
    # message input
    m_input = jnp.concatenate([h_flat[src], h_flat[dst], edge_attr], axis=-1)
    # node_mlp (computed faithfully even though h output is discarded by predict_epsilon)
    m = _silu(m_input @ Wn1 + bn1) @ Wn2 + bn2
    h_agg = jnp.zeros_like(h_flat).at[dst].add(m)
    h_out = h_flat + h_agg  # noqa: F841 (faithful to torch forward)
    # coord_mlp
    coord_weight = _silu(m_input @ Wc1 + bc1) @ Wc2
    dir_vec = x_flat[src] - x_flat[dst]
    dir_len = jnp.maximum(jnp.linalg.norm(dir_vec, axis=-1, keepdims=True), 1e-08)
    dir_unit = dir_vec / dir_len
    coord_update = coord_weight * dir_unit
    x_agg = jnp.zeros_like(x_flat).at[dst].add(coord_update)
    eps_flat = x_flat + x_agg
    return eps_flat.reshape(B, N, 3)

if __name__ == "__main__":
    import jax
    _d = setup_inputs()
    print(jax.jit(kernel)(*tuple(_d.values())))

</pallas_src>

<mosaic_0001>
#map = affine_map<(d0, d1) -> (0, 0)>
#map1 = affine_map<(d0, d1) -> (0)>
module attributes {stable_mosaic.version = 14 : i64} {
  func.func @_gather_kernel(%arg0: i32, %arg1: i32, %arg2: memref<10000x64xi32, #tpu.memory_space<hbm>>, %arg3: memref<10000x64xi32, #tpu.memory_space<hbm>>, %arg4: memref<320000xi32, #tpu.memory_space<hbm>>, %arg5: memref<320000xi32, #tpu.memory_space<hbm>>, %arg6: memref<160000x128xi32, #tpu.memory_space<hbm>>, %arg7: memref<80xi32, #tpu.memory_space<vmem>>, %arg8: memref<80xi32, #tpu.memory_space<vmem>>, %arg9: memref<80xi32, #tpu.memory_space<vmem>>, %arg10: memref<80xi32, #tpu.memory_space<vmem>>, %arg11: memref<80x64xi32, #tpu.memory_space<vmem>>, %arg12: memref<80x64xi32, #tpu.memory_space<vmem>>, %arg13: memref<80x64xi32, #tpu.memory_space<vmem>>, %arg14: memref<80x64xi32, #tpu.memory_space<vmem>>, %arg15: memref<40x128xi32, #tpu.memory_space<vmem>>, %arg16: memref<40x128xi32, #tpu.memory_space<vmem>>, %arg17: memref<!tpu.dma_semaphore, #tpu.memory_space<semaphore_mem>>, %arg18: memref<!tpu.dma_semaphore, #tpu.memory_space<semaphore_mem>>, %arg19: memref<!tpu.dma_semaphore, #tpu.memory_space<semaphore_mem>>, %arg20: memref<!tpu.dma_semaphore, #tpu.memory_space<semaphore_mem>>, %arg21: memref<!tpu.dma_semaphore, #tpu.memory_space<semaphore_mem>>, %arg22: memref<!tpu.dma_semaphore, #tpu.memory_space<semaphore_mem>>, %arg23: memref<!tpu.dma_semaphore, #tpu.memory_space<semaphore_mem>>, %arg24: memref<!tpu.dma_semaphore, #tpu.memory_space<semaphore_mem>>, %arg25: memref<!tpu.dma_semaphore, #tpu.memory_space<semaphore_mem>>, %arg26: memref<!tpu.dma_semaphore, #tpu.memory_space<semaphore_mem>>) attributes {dimension_semantics = [#tpu.dimension_semantics<core_parallel>, #tpu.dimension_semantics<subcore_parallel>], iteration_bounds = array<i64: 2, 16>, scalar_prefetch = 0 : i64, scratch_operands = 20 : i64, tpu.core_type = #tpu.core_type<sc_vector_subcore>, window_params = [{transform_indices = #map}, {transform_indices = #map}, {transform_indices = #map1}, {transform_indices = #map1}, {transform_indices = #map}]} {
    %mul3A = arith.constant 2 : i32
    %mul3A_0 = arith.muli %arg1, %mul3A : i32
    %add3A = arith.addi %mul3A_0, %arg0 : i32
    %mul3A_1 = arith.constant 10000 : i32
    %mul3A_2 = arith.muli %add3A, %mul3A_1 : i32
    %mul3A_3 = arith.constant 5000 : i32
    %mul3A_4 = arith.muli %add3A, %mul3A_3 : i32
    %add3A_5 = arith.constant 0 : i32
    %add3A_6 = arith.addi %mul3A_2, %add3A_5 : i32
    %dma_start3A = tpu.memref_slice %arg4[%add3A_6] : memref<320000xi32, #tpu.memory_space<hbm>> -> memref<80xi32, #tpu.memory_space<hbm>>
    %dma_start3A_7 = tpu.memref_slice %arg4[%add3A_6] : memref<320000xi32, #tpu.memory_space<hbm>> -> memref<80xi32, #tpu.memory_space<hbm>>
    tpu.enqueue_dma source(%dma_start3A_7 : memref<80xi32, #tpu.memory_space<hbm>>) target(%arg7 : memref<80xi32, #tpu.memory_space<vmem>>) target_semaphore(%arg17 : memref<!tpu.dma_semaphore, #tpu.memory_space<semaphore_mem>>)
    %dma_start3A_8 = tpu.memref_slice %arg5[%add3A_6] : memref<320000xi32, #tpu.memory_space<hbm>> -> memref<80xi32, #tpu.memory_space<hbm>>
    %dma_start3A_9 = tpu.memref_slice %arg5[%add3A_6] : memref<320000xi32, #tpu.memory_space<hbm>> -> memref<80xi32, #tpu.memory_space<hbm>>
    tpu.enqueue_dma source(%dma_start3A_9 : memref<80xi32, #tpu.memory_space<hbm>>) target(%arg9 : memref<80xi32, #tpu.memory_space<vmem>>) target_semaphore(%arg19 : memref<!tpu.dma_semaphore, #tpu.memory_space<semaphore_mem>>)
    %add3A_10 = arith.constant 0 : i32
    %add3A_11 = arith.addi %mul3A_2, %add3A_10 : i32
    %dma_wait3A = tpu.memref_slice %arg4[%add3A_11] : memref<320000xi32, #tpu.memory_space<hbm>> -> memref<80xi32, #tpu.memory_space<hbm>>
    %dma_wait3A_12 = tpu.memref_slice %arg4[%add3A_11] : memref<320000xi32, #tpu.memory_space<hbm>> -> memref<80xi32, #tpu.memory_space<hbm>>
    tpu.wait_dma2 semaphore(%arg17 : memref<!tpu.dma_semaphore, #tpu.memory_space<semaphore_mem>>) src(%dma_wait3A_12 : memref<80xi32, #tpu.memory_space<hbm>>) dst(%arg7 : memref<80xi32, #tpu.memory_space<vmem>>)
    %dma_wait3A_13 = tpu.memref_slice %arg5[%add3A_11] : memref<320000xi32, #tpu.memory_space<hbm>> -> memref<80xi32, #tpu.memory_space<hbm>>
    %dma_wait3A_14 = tpu.memref_slice %arg5[%add3A_11] : memref<320000xi32, #tpu.memory_space<hbm>> -> memref<80xi32, #tpu.memory_space<hbm>>
    tpu.wait_dma2 semaphore(%arg19 : memref<!tpu.dma_semaphore, #tpu.memory_space<semaphore_mem>>) src(%dma_wait3A_14 : memref<80xi32, #tpu.memory_space<hbm>>) dst(%arg9 : memref<80xi32, #tpu.memory_space<vmem>>)
    %dma_start3A_15 = arith.constant 0 : i32
    %dma_start3A_16 = arith.constant 0 : i32
    %dma_start3A_17 = tpu.memref_slice %arg2[%dma_start3A_15, %dma_start3A_16] : memref<10000x64xi32, #tpu.memory_space<hbm>> -> memref<10000x64xi32, #tpu.memory_space<hbm>>
    tpu.enqueue_indirect_dma source(%dma_start3A_17 : memref<10000x64xi32, #tpu.memory_space<hbm>>) target(%arg11 : memref<80x64xi32, #tpu.memory_space<vmem>>) offsets(%arg7 : memref<80xi32, #tpu.memory_space<vmem>>) semaphore(%arg21 : memref<!tpu.dma_semaphore, #tpu.memory_space<semaphore_mem>>)
    %dma_start3A_18 = arith.constant 0 : i32
    %dma_start3A_19 = arith.constant 0 : i32
    %dma_start3A_20 = tpu.memref_slice %arg3[%dma_start3A_18, %dma_start3A_19] : memref<10000x64xi32, #tpu.memory_space<hbm>> -> memref<10000x64xi32, #tpu.memory_space<hbm>>
    tpu.enqueue_indirect_dma source(%dma_start3A_20 : memref<10000x64xi32, #tpu.memory_space<hbm>>) target(%arg13 : memref<80x64xi32, #tpu.memory_space<vmem>>) offsets(%arg9 : memref<80xi32, #tpu.memory_space<vmem>>) semaphore(%arg23 : memref<!tpu.dma_semaphore, #tpu.memory_space<semaphore_mem>>)
    %add3A_21 = arith.constant 80 : i32
    %add3A_22 = arith.addi %mul3A_2, %add3A_21 : i32
    %dma_start3A_23 = tpu.memref_slice %arg4[%add3A_22] : memref<320000xi32, #tpu.memory_space<hbm>> -> memref<80xi32, #tpu.memory_space<hbm>>
    %dma_start3A_24 = tpu.memref_slice %arg4[%add3A_22] : memref<320000xi32, #tpu.memory_space<hbm>> -> memref<80xi32, #tpu.memory_space<hbm>>
    tpu.enqueue_dma source(%dma_start3A_24 : memref<80xi32, #tpu.memory_space<hbm>>) target(%arg8 : memref<80xi32, #tpu.memory_space<vmem>>) target_semaphore(%arg18 : memref<!tpu.dma_semaphore, #tpu.memory_space<semaphore_mem>>)
    %dma_start3A_25 = tpu.memref_slice %arg5[%add3A_22] : memref<320000xi32, #tpu.memory_space<hbm>> -> memref<80xi32, #tpu.memory_space<hbm>>
    %dma_start3A_26 = tpu.memref_slice %arg5[%add3A_22] : memref<320000xi32, #tpu.memory_space<hbm>> -> memref<80xi32, #tpu.memory_space<hbm>>
    tpu.enqueue_dma source(%dma_start3A_26 : memref<80xi32, #tpu.memory_space<hbm>>) target(%arg10 : memref<80xi32, #tpu.memory_space<vmem>>) target_semaphore(%arg20 : memref<!tpu.dma_semaphore, #tpu.memory_space<semaphore_mem>>)
    %scan3A = arith.constant 0 : i32
    %scan3A_27 = arith.constant 0 : i32
    %scan3A_28 = arith.constant 62 : i32
    %scan3A_29 = arith.addi %scan3A_27, %scan3A_28 : i32
    %scan3A_30 = arith.constant 1 : i32
    scf.for %scan3A_46 = %scan3A_27 to %scan3A_29 step %scan3A_30  : i32 {
      %mul3A_47 = arith.constant 2 : i32
      %mul3A_48 = arith.muli %mul3A_47, %scan3A_46 : i32
      %add3A_49 = arith.constant 1 : i32
      %add3A_50 = arith.addi %mul3A_48, %add3A_49 : i32
      %add3A_51 = arith.constant 0 : i32
      %add3A_52 = arith.addi %mul3A_2, %add3A_51 : i32
      %dma_wait3A_53 = tpu.memref_slice %arg4[%add3A_52] : memref<320000xi32, #tpu.memory_space<hbm>> -> memref<80xi32, #tpu.memory_space<hbm>>
      %dma_wait3A_54 = tpu.memref_slice %arg4[%add3A_52] : memref<320000xi32, #tpu.memory_space<hbm>> -> memref<80xi32, #tpu.memory_space<hbm>>
      tpu.wait_dma2 semaphore(%arg18 : memref<!tpu.dma_semaphore, #tpu.memory_space<semaphore_mem>>) src(%dma_wait3A_54 : memref<80xi32, #tpu.memory_space<hbm>>) dst(%arg8 : memref<80xi32, #tpu.memory_space<vmem>>)
      %dma_wait3A_55 = tpu.memref_slice %arg5[%add3A_52] : memref<320000xi32, #tpu.memory_space<hbm>> -> memref<80xi32, #tpu.memory_space<hbm>>
      %dma_wait3A_56 = tpu.memref_slice %arg5[%add3A_52] : memref<320000xi32, #tpu.memory_space<hbm>> -> memref<80xi32, #tpu.memory_space<hbm>>
      tpu.wait_dma2 semaphore(%arg20 : memref<!tpu.dma_semaphore, #tpu.memory_space<semaphore_mem>>) src(%dma_wait3A_56 : memref<80xi32, #tpu.memory_space<hbm>>) dst(%arg10 : memref<80xi32, #tpu.memory_space<vmem>>)
      %dma_start3A_57 = arith.constant 0 : i32
      %dma_start3A_58 = arith.constant 0 : i32
      %dma_start3A_59 = tpu.memref_slice %arg2[%dma_start3A_57, %dma_start3A_58] : memref<10000x64xi32, #tpu.memory_space<hbm>> -> memref<10000x64xi32, #tpu.memory_space<hbm>>
      tpu.enqueue_indirect_dma source(%dma_start3A_59 : memref<10000x64xi32, #tpu.memory_space<hbm>>) target(%arg12 : memref<80x64xi32, #tpu.memory_space<vmem>>) offsets(%arg8 : memref<80xi32, #tpu.memory_space<vmem>>) semaphore(%arg22 : memref<!tpu.dma_semaphore, #tpu.memory_space<semaphore_mem>>)
      %dma_start3A_60 = arith.constant 0 : i32
      %dma_start3A_61 = arith.constant 0 : i32
      %dma_start3A_62 = tpu.memref_slice %arg3[%dma_start3A_60, %dma_start3A_61] : memref<10000x64xi32, #tpu.memory_space<hbm>> -> memref<10000x64xi32, #tpu.memory_space<hbm>>
      tpu.enqueue_indirect_dma source(%dma_start3A_62 : memref<10000x64xi32, #tpu.memory_space<hbm>>) target(%arg14 : memref<80x64xi32, #tpu.memory_space<vmem>>) offsets(%arg10 : memref<80xi32, #tpu.memory_space<vmem>>) semaphore(%arg24 : memref<!tpu.dma_semaphore, #tpu.memory_space<semaphore_mem>>)
      %dma_wait3A_63 = arith.constant 0 : i32
      %dma_wait3A_64 = arith.constant 0 : i32
      %dma_wait3A_65 = tpu.memref_slice %arg2[%dma_wait3A_63, %dma_wait3A_64] : memref<10000x64xi32, #tpu.memory_space<hbm>> -> memref<10000x64xi32, #tpu.memory_space<hbm>>
      tpu.wait_indirect_dma semaphore(%arg21 : memref<!tpu.dma_semaphore, #tpu.memory_space<semaphore_mem>>) src(%dma_wait3A_65 : memref<10000x64xi32, #tpu.memory_space<hbm>>) dst(%arg11 : memref<80x64xi32, #tpu.memory_space<vmem>>)
      %dma_wait3A_66 = arith.constant 0 : i32
      %dma_wait3A_67 = arith.constant 0 : i32
      %dma_wait3A_68 = tpu.memref_slice %arg3[%dma_wait3A_66, %dma_wait3A_67] : memref<10000x64xi32, #tpu.memory_space<hbm>> -> memref<10000x64xi32, #tpu.memory_space<hbm>>
      tpu.wait_indirect_dma semaphore(%arg23 : memref<!tpu.dma_semaphore, #tpu.memory_space<semaphore_mem>>) src(%dma_wait3A_68 : memref<10000x64xi32, #tpu.memory_space<hbm>>) dst(%arg13 : memref<80x64xi32, #tpu.memory_space<vmem>>)
      %sub3A = arith.constant 1 : i32
      %sub3A_69 = arith.subi %add3A_50, %sub3A : i32
      %scan3A_70 = arith.constant 0 : i32
      %scan3A_71 = arith.constant 0 : i32
      %scan3A_72 = arith.constant 40 : i32
      %scan3A_73 = arith.addi %scan3A_71, %scan3A_72 : i32
      %scan3A_74 = arith.constant 1 : i32
      scf.for %scan3A_117 = %scan3A_71 to %scan3A_73 step %scan3A_74  : i32 {
        %mul3A_118 = arith.constant 2 : i32
        %mul3A_119 = arith.muli %mul3A_118, %scan3A_117 : i32
        %add3A_120 = arith.constant 0 : i32
        %add3A_121 = arith.addi %mul3A_119, %add3A_120 : i32
        %get3A = arith.index_cast %add3A_121 : i32 to index
        %get3A_122 = arith.constant 0 : index
        %get3A_123 = tpu.vector_load %arg11[%get3A, %get3A_122] {strides = array<i32>} : memref<80x64xi32, #tpu.memory_space<vmem>>, vector<16xi32>,
        %mul3A_124 = arith.constant 2 : i32
        %mul3A_125 = arith.muli %mul3A_124, %scan3A_117 : i32
        %add3A_126 = arith.constant 0 : i32
        %add3A_127 = arith.addi %mul3A_125, %add3A_126 : i32
        %get3A_128 = arith.index_cast %add3A_127 : i32 to index
        %get3A_129 = arith.constant 0 : index
        %get3A_130 = tpu.vector_load %arg13[%get3A_128, %get3A_129] {strides = array<i32>} : memref<80x64xi32, #tpu.memory_space<vmem>>, vector<16xi32>,
        %bitcast3A = vector.bitcast %get3A_123 : vector<16xi32> to vector<32xbf16>
        %bitcast3A_131 = vector.bitcast %get3A_130 : vector<16xi32> to vector<32xbf16>
        %add3A_132 = arith.addf %bitcast3A, %bitcast3A_131 : vector<32xbf16>
        %bitcast3A_133 = vector.bitcast %add3A_132 : vector<32xbf16> to vector<16xi32>
        %swap3A = arith.index_cast %scan3A_117 : i32 to index
        %swap3A_134 = arith.constant 0 : index
        %swap3A_135 = tpu.vector_load %arg15[%swap3A, %swap3A_134] {strides = array<i32>} : memref<40x128xi32, #tpu.memory_space<vmem>>, vector<16xi32>,
        tpu.vector_store %arg15[%swap3A, %swap3A_134], %bitcast3A_133 {strides = array<i32>} : memref<40x128xi32, #tpu.memory_space<vmem>>, vector<16xi32>,
        %mul3A_136 = arith.constant 2 : i32
        %mul3A_137 = arith.muli %mul3A_136, %scan3A_117 : i32
        %add3A_138 = arith.constant 0 : i32
        %add3A_139 = arith.addi %mul3A_137, %add3A_138 : i32
        %get3A_140 = arith.index_cast %add3A_139 : i32 to index
        %get3A_141 = arith.constant 16 : index
        %get3A_142 = tpu.vector_load %arg11[%get3A_140, %get3A_141] {strides = array<i32>} : memref<80x64xi32, #tpu.memory_space<vmem>>, vector<16xi32>,
        %mul3A_143 = arith.constant 2 : i32
        %mul3A_144 = arith.muli %mul3A_143, %scan3A_117 : i32
        %add3A_145 = arith.constant 0 : i32
        %add3A_146 = arith.addi %mul3A_144, %add3A_145 : i32
        %get3A_147 = arith.index_cast %add3A_146 : i32 to index
        %get3A_148 = arith.constant 16 : index
        %get3A_149 = tpu.vector_load %arg13[%get3A_147, %get3A_148] {strides = array<i32>} : memref<80x64xi32, #tpu.memory_space<vmem>>, vector<16xi32>,
        %bitcast3A_150 = vector.bitcast %get3A_142 : vector<16xi32> to vector<32xbf16>
        %bitcast3A_151 = vector.bitcast %get3A_149 : vector<16xi32> to vector<32xbf16>
        %add3A_152 = arith.addf %bitcast3A_150, %bitcast3A_151 : vector<32xbf16>
        %bitcast3A_153 = vector.bitcast %add3A_152 : vector<32xbf16> to vector<16xi32>
        %swap3A_154 = arith.index_cast %scan3A_117 : i32 to index
        %swap3A_155 = arith.constant 16 : index
        %swap3A_156 = tpu.vector_load %arg15[%swap3A_154, %swap3A_155] {strides = array<i32>} : memref<40x128xi32, #tpu.memory_space<vmem>>, vector<16xi32>,
        tpu.vector_store %arg15[%swap3A_154, %swap3A_155], %bitcast3A_153 {strides = array<i32>} : memref<40x128xi32, #tpu.memory_space<vmem>>, vector<16xi32>,
        %mul3A_157 = arith.constant 2 : i32
        %mul3A_158 = arith.muli %mul3A_157, %scan3A_117 : i32
        %add3A_159 = arith.constant 0 : i32
        %add3A_160 = arith.addi %mul3A_158, %add3A_159 : i32
        %get3A_161 = arith.index_cast %add3A_160 : i32 to index
        %get3A_162 = arith.constant 32 : index
        %get3A_163 = tpu.vector_load %arg11[%get3A_161, %get3A_162] {strides = array<i32>} : memref<80x64xi32, #tpu.memory_space<vmem>>, vector<16xi32>,
        %mul3A_164 = arith.constant 2 : i32
        %mul3A_165 = arith.muli %mul3A_164, %scan3A_117 : i32
        %add3A_166 = arith.constant 0 : i32
        %add3A_167 = arith.addi %mul3A_165, %add3A_166 : i32
        %get3A_168 = arith.index_cast %add3A_167 : i32 to index
        %get3A_169 = arith.constant 32 : index
        %get3A_170 = tpu.vector_load %arg13[%get3A_168, %get3A_169] {strides = array<i32>} : memref<80x64xi32, #tpu.memory_space<vmem>>, vector<16xi32>,
        %bitcast3A_171 = vector.bitcast %get3A_163 : vector<16xi32> to vector<32xbf16>
        %bitcast3A_172 = vector.bitcast %get3A_170 : vector<16xi32> to vector<32xbf16>
        %add3A_173 = arith.addf %bitcast3A_171, %bitcast3A_172 : vector<32xbf16>
        %bitcast3A_174 = vector.bitcast %add3A_173 : vector<32xbf16> to vector<16xi32>
        %swap3A_175 = arith.index_cast %scan3A_117 : i32 to index
        %swap3A_176 = arith.constant 32 : index
        %swap3A_177 = tpu.vector_load %arg15[%swap3A_175, %swap3A_176] {strides = array<i32>} : memref<40x128xi32, #tpu.memory_space<vmem>>, vector<16xi32>,
        tpu.vector_store %arg15[%swap3A_175, %swap3A_176], %bitcast3A_174 {strides = array<i32>} : memref<40x128xi32, #tpu.memory_space<vmem>>, vector<16xi32>,
        %mul3A_178 = arith.constant 2 : i32
        %mul3A_179 = arith.muli %mul3A_178, %scan3A_117 : i32
        %add3A_180 = arith.constant 0 : i32
        %add3A_181 = arith.addi %mul3A_179, %add3A_180 : i32
        %get3A_182 = arith.index_cast %add3A_181 : i32 to index
        %get3A_183 = arith.constant 48 : index
        %get3A_184 = tpu.vector_load %arg11[%get3A_182, %get3A_183] {strides = array<i32>} : memref<80x64xi32, #tpu.memory_space<vmem>>, vector<16xi32>,
        %mul3A_185 = arith.constant 2 : i32
        %mul3A_186 = arith.muli %mul3A_185, %scan3A_117 : i32
        %add3A_187 = arith.constant 0 : i32
        %add3A_188 = arith.addi %mul3A_186, %add3A_187 : i32
        %get3A_189 = arith.index_cast %add3A_188 : i32 to index
        %get3A_190 = arith.constant 48 : index
        %get3A_191 = tpu.vector_load %arg13[%get3A_189, %get3A_190] {strides = array<i32>} : memref<80x64xi32, #tpu.memory_space<vmem>>, vector<16xi32>,
        %bitcast3A_192 = vector.bitcast %get3A_184 : vector<16xi32> to vector<32xbf16>
        %bitcast3A_193 = vector.bitcast %get3A_191 : vector<16xi32> to vector<32xbf16>
        %add3A_194 = arith.addf %bitcast3A_192, %bitcast3A_193 : vector<32xbf16>
        %bitcast3A_195 = vector.bitcast %add3A_194 : vector<32xbf16> to vector<16xi32>
        %swap3A_196 = arith.index_cast %scan3A_117 : i32 to index
        %swap3A_197 = arith.constant 48 : index
        %swap3A_198 = tpu.vector_load %arg15[%swap3A_196, %swap3A_197] {strides = array<i32>} : memref<40x128xi32, #tpu.memory_space<vmem>>, vector<16xi32>,
        tpu.vector_store %arg15[%swap3A_196, %swap3A_197], %bitcast3A_195 {strides = array<i32>} : memref<40x128xi32, #tpu.memory_space<vmem>>, vector<16xi32>,
        %mul3A_199 = arith.constant 2 : i32
        %mul3A_200 = arith.muli %mul3A_199, %scan3A_117 : i32
        %add3A_201 = arith.constant 1 : i32
        %add3A_202 = arith.addi %mul3A_200, %add3A_201 : i32
        %get3A_203 = arith.index_cast %add3A_202 : i32 to index
        %get3A_204 = arith.constant 0 : index
        %get3A_205 = tpu.vector_load %arg11[%get3A_203, %get3A_204] {strides = array<i32>} : memref<80x64xi32, #tpu.memory_space<vmem>>, vector<16xi32>,
        %mul3A_206 = arith.constant 2 : i32
        %mul3A_207 = arith.muli %mul3A_206, %scan3A_117 : i32
        %add3A_208 = arith.constant 1 : i32
        %add3A_209 = arith.addi %mul3A_207, %add3A_208 : i32
        %get3A_210 = arith.index_cast %add3A_209 : i32 to index
        %get3A_211 = arith.constant 0 : index
        %get3A_212 = tpu.vector_load %arg13[%get3A_210, %get3A_211] {strides = array<i32>} : memref<80x64xi32, #tpu.memory_space<vmem>>, vector<16xi32>,
        %bitcast3A_213 = vector.bitcast %get3A_205 : vector<16xi32> to vector<32xbf16>
        %bitcast3A_214 = vector.bitcast %get3A_212 : vector<16xi32> to vector<32xbf16>
        %add3A_215 = arith.addf %bitcast3A_213, %bitcast3A_214 : vector<32xbf16>
        %bitcast3A_216 = vector.bitcast %add3A_215 : vector<32xbf16> to vector<16xi32>
        %swap3A_217 = arith.index_cast %scan3A_117 : i32 to index
        %swap3A_218 = arith.constant 64 : index
        %swap3A_219 = tpu.vector_load %arg15[%swap3A_217, %swap3A_218] {strides = array<i32>} : memref<40x128xi32, #tpu.memory_space<vmem>>, vector<16xi32>,
        tpu.vector_store %arg15[%swap3A_217, %swap3A_218], %bitcast3A_216 {strides = array<i32>} : memref<40x128xi32, #tpu.memory_space<vmem>>, vector<16xi32>,
        %mul3A_220 = arith.constant 2 : i32
        %mul3A_221 = arith.muli %mul3A_220, %scan3A_117 : i32
        %add3A_222 = arith.constant 1 : i32
        %add3A_223 = arith.addi %mul3A_221, %add3A_222 : i32
        %get3A_224 = arith.index_cast %add3A_223 : i32 to index
        %get3A_225 = arith.constant 16 : index
        %get3A_226 = tpu.vector_load %arg11[%get3A_224, %get3A_225] {strides = array<i32>} : memref<80x64xi32, #tpu.memory_space<vmem>>, vector<16xi32>,
        %mul3A_227 = arith.constant 2 : i32
        %mul3A_228 = arith.muli %mul3A_227, %scan3A_117 : i32
        %add3A_229 = arith.constant 1 : i32
        %add3A_230 = arith.addi %mul3A_228, %add3A_229 : i32
        %get3A_231 = arith.index_cast %add3A_230 : i32 to index
        %get3A_232 = arith.constant 16 : index
        %get3A_233 = tpu.vector_load %arg13[%get3A_231, %get3A_232] {strides = array<i32>} : memref<80x64xi32, #tpu.memory_space<vmem>>, vector<16xi32>,
        %bitcast3A_234 = vector.bitcast %get3A_226 : vector<16xi32> to vector<32xbf16>
        %bitcast3A_235 = vector.bitcast %get3A_233 : vector<16xi32> to vector<32xbf16>
        %add3A_236 = arith.addf %bitcast3A_234, %bitcast3A_235 : vector<32xbf16>
        %bitcast3A_237 = vector.bitcast %add3A_236 : vector<32xbf16> to vector<16xi32>
        %swap3A_238 = arith.index_cast %scan3A_117 : i32 to index
        %swap3A_239 = arith.constant 80 : index
        %swap3A_240 = tpu.vector_load %arg15[%swap3A_238, %swap3A_239] {strides = array<i32>} : memref<40x128xi32, #tpu.memory_space<vmem>>, vector<16xi32>,
        tpu.vector_store %arg15[%swap3A_238, %swap3A_239], %bitcast3A_237 {strides = array<i32>} : memref<40x128xi32, #tpu.memory_space<vmem>>, vector<16xi32>,
        %mul3A_241 = arith.constant 2 : i32
        %mul3A_242 = arith.muli %mul3A_241, %scan3A_117 : i32
        %add3A_243 = arith.constant 1 : i32
        %add3A_244 = arith.addi %mul3A_242, %add3A_243 : i32
        %get3A_245 = arith.index_cast %add3A_244 : i32 to index
        %get3A_246 = arith.constant 32 : index
        %get3A_247 = tpu.vector_load %arg11[%get3A_245, %get3A_246] {strides = array<i32>} : memref<80x64xi32, #tpu.memory_space<vmem>>, vector<16xi32>,
        %mul3A_248 = arith.constant 2 : i32
        %mul3A_249 = arith.muli %mul3A_248, %scan3A_117 : i32
        %add3A_250 = arith.constant 1 : i32
        %add3A_251 = arith.addi %mul3A_249, %add3A_250 : i32
        %get3A_252 = arith.index_cast %add3A_251 : i32 to index
        %get3A_253 = arith.constant 32 : index
        %get3A_254 = tpu.vector_load %arg13[%get3A_252, %get3A_253] {strides = array<i32>} : memref<80x64xi32, #tpu.memory_space<vmem>>, vector<16xi32>,
        %bitcast3A_255 = vector.bitcast %get3A_247 : vector<16xi32> to vector<32xbf16>
        %bitcast3A_256 = vector.bitcast %get3A_254 : vector<16xi32> to vector<32xbf16>
        %add3A_257 = arith.addf %bitcast3A_255, %bitcast3A_256 : vector<32xbf16>
        %bitcast3A_258 = vector.bitcast %add3A_257 : vector<32xbf16> to vector<16xi32>
        %swap3A_259 = arith.index_cast %scan3A_117 : i32 to index
        %swap3A_260 = arith.constant 96 : index
        %swap3A_261 = tpu.vector_load %arg15[%swap3A_259, %swap3A_260] {strides = array<i32>} : memref<40x128xi32, #tpu.memory_space<vmem>>, vector<16xi32>,
        tpu.vector_store %arg15[%swap3A_259, %swap3A_260], %bitcast3A_258 {strides = array<i32>} : memref<40x128xi32, #tpu.memory_space<vmem>>, vector<16xi32>,
        %mul3A_262 = arith.constant 2 : i32
        %mul3A_263 = arith.muli %mul3A_262, %scan3A_117 : i32
        %add3A_264 = arith.constant 1 : i32
        %add3A_265 = arith.addi %mul3A_263, %add3A_264 : i32
        %get3A_266 = arith.index_cast %add3A_265 : i32 to index
        %get3A_267 = arith.constant 48 : index
        %get3A_268 = tpu.vector_load %arg11[%get3A_266, %get3A_267] {strides = array<i32>} : memref<80x64xi32, #tpu.memory_space<vmem>>, vector<16xi32>,
        %mul3A_269 = arith.constant 2 : i32
        %mul3A_270 = arith.muli %mul3A_269, %scan3A_117 : i32
        %add3A_271 = arith.constant 1 : i32
        %add3A_272 = arith.addi %mul3A_270, %add3A_271 : i32
        %get3A_273 = arith.index_cast %add3A_272 : i32 to index
        %get3A_274 = arith.constant 48 : index
        %get3A_275 = tpu.vector_load %arg13[%get3A_273, %get3A_274] {strides = array<i32>} : memref<80x64xi32, #tpu.memory_space<vmem>>, vector<16xi32>,
        %bitcast3A_276 = vector.bitcast %get3A_268 : vector<16xi32> to vector<32xbf16>
        %bitcast3A_277 = vector.bitcast %get3A_275 : vector<16xi32> to vector<32xbf16>
        %add3A_278 = arith.addf %bitcast3A_276, %bitcast3A_277 : vector<32xbf16>
        %bitcast3A_279 = vector.bitcast %add3A_278 : vector<32xbf16> to vector<16xi32>
        %swap3A_280 = arith.index_cast %scan3A_117 : i32 to index
        %swap3A_281 = arith.constant 112 : index
        %swap3A_282 = tpu.vector_load %arg15[%swap3A_280, %swap3A_281] {strides = array<i32>} : memref<40x128xi32, #tpu.memory_space<vmem>>, vector<16xi32>,
        tpu.vector_store %arg15[%swap3A_280, %swap3A_281], %bitcast3A_279 {strides = array<i32>} : memref<40x128xi32, #tpu.memory_space<vmem>>, vector<16xi32>,
      }
      %scan3A_75 = arith.constant 40 : i32
      %mul3A_76 = arith.constant 40 : i32
      %mul3A_77 = arith.muli %sub3A_69, %mul3A_76 : i32
      %add3A_78 = arith.addi %mul3A_4, %mul3A_77 : i32
      "tpu.region"() ({
        %run_scoped3A = tpu.sem_alloc : memref<!tpu.dma_semaphore, #tpu.memory_space<semaphore_mem>>
        %dma_start3A_117 = arith.constant 0 : i32
        %dma_start3A_118 = tpu.memref_slice %arg6[%add3A_78, %dma_start3A_117] : memref<160000x128xi32, #tpu.memory_space<hbm>> -> memref<40x128xi32, #tpu.memory_space<hbm>>
        %dma_start3A_119 = arith.constant 0 : i32
        %dma_start3A_120 = tpu.memref_slice %arg6[%add3A_78, %dma_start3A_119] : memref<160000x128xi32, #tpu.memory_space<hbm>> -> memref<40x128xi32, #tpu.memory_space<hbm>>
        tpu.enqueue_dma source(%arg15 : memref<40x128xi32, #tpu.memory_space<vmem>>) target(%dma_start3A_120 : memref<40x128xi32, #tpu.memory_space<hbm>>) target_semaphore(%run_scoped3A : memref<!tpu.dma_semaphore, #tpu.memory_space<semaphore_mem>>)
        %dma_wait3A_121 = arith.constant 0 : i32
        %dma_wait3A_122 = tpu.memref_slice %arg6[%add3A_78, %dma_wait3A_121] : memref<160000x128xi32, #tpu.memory_space<hbm>> -> memref<40x128xi32, #tpu.memory_space<hbm>>
        %dma_wait3A_123 = arith.constant 0 : i32
        %dma_wait3A_124 = tpu.memref_slice %arg6[%add3A_78, %dma_wait3A_123] : memref<160000x128xi32, #tpu.memory_space<hbm>> -> memref<40x128xi32, #tpu.memory_space<hbm>>
        tpu.wait_dma2 semaphore(%run_scoped3A : memref<!tpu.dma_semaphore, #tpu.memory_space<semaphore_mem>>) src(%arg15 : memref<40x128xi32, #tpu.memory_space<vmem>>) dst(%dma_wait3A_124 : memref<40x128xi32, #tpu.memory_space<hbm>>)
        tpu.yield
      }) : () -> ()
      %add3A_79 = arith.constant 1 : i32
      %add3A_80 = arith.addi %add3A_50, %add3A_79 : i32
      %mul3A_81 = arith.constant 80 : i32
      %mul3A_82 = arith.muli %add3A_80, %mul3A_81 : i32
      %add3A_83 = arith.addi %mul3A_2, %mul3A_82 : i32
      %dma_start3A_84 = tpu.memref_slice %arg4[%add3A_83] : memref<320000xi32, #tpu.memory_space<hbm>> -> memref<80xi32, #tpu.memory_space<hbm>>
      %dma_start3A_85 = tpu.memref_slice %arg4[%add3A_83] : memref<320000xi32, #tpu.memory_space<hbm>> -> memref<80xi32, #tpu.memory_space<hbm>>
      tpu.enqueue_dma source(%dma_start3A_85 : memref<80xi32, #tpu.memory_space<hbm>>) target(%arg7 : memref<80xi32, #tpu.memory_space<vmem>>) target_semaphore(%arg17 : memref<!tpu.dma_semaphore, #tpu.memory_space<semaphore_mem>>)
      %dma_start3A_86 = tpu.memref_slice %arg5[%add3A_83] : memref<320000xi32, #tpu.memory_space<hbm>> -> memref<80xi32, #tpu.memory_space<hbm>>
      %dma_start3A_87 = tpu.memref_slice %arg5[%add3A_83] : memref<320000xi32, #tpu.memory_space<hbm>> -> memref<80xi32, #tpu.memory_space<hbm>>
      tpu.enqueue_dma source(%dma_start3A_87 : memref<80xi32, #tpu.memory_space<hbm>>) target(%arg9 : memref<80xi32, #tpu.memory_space<vmem>>) target_semaphore(%arg19 : memref<!tpu.dma_semaphore, #tpu.memory_space<semaphore_mem>>)
      %add3A_88 = arith.constant 0 : i32
      %add3A_89 = arith.addi %mul3A_2, %add3A_88 : i32
      %dma_wait3A_90 = tpu.memref_slice %arg4[%add3A_89] : memref<320000xi32, #tpu.memory_space<hbm>> -> memref<80xi32, #tpu.memory_space<hbm>>
      %dma_wait3A_91 = tpu.memref_slice %arg4[%add3A_89] : memref<320000xi32, #tpu.memory_space<hbm>> -> memref<80xi32, #tpu.memory_space<hbm>>
      tpu.wait_dma2 semaphore(%arg17 : memref<!tpu.dma_semaphore, #tpu.memory_space<semaphore_mem>>) src(%dma_wait3A_91 : memref<80xi32, #tpu.memory_space<hbm>>) dst(%arg7 : memref<80xi32, #tpu.memory_space<vmem>>)
      %dma_wait3A_92 = tpu.memref_slice %arg5[%add3A_89] : memref<320000xi32, #tpu.memory_space<hbm>> -> memref<80xi32, #tpu.memory_space<hbm>>
      %dma_wait3A_93 = tpu.memref_slice %arg5[%add3A_89] : memref<320000xi32, #tpu.memory_space<hbm>> -> memref<80xi32, #tpu.memory_space<hbm>>
      tpu.wait_dma2 semaphore(%arg19 : memref<!tpu.dma_semaphore, #tpu.memory_space<semaphore_mem>>) src(%dma_wait3A_93 : memref<80xi32, #tpu.memory_space<hbm>>) dst(%arg9 : memref<80xi32, #tpu.memory_space<vmem>>)
      %dma_start3A_94 = arith.constant 0 : i32
      %dma_start3A_95 = arith.constant 0 : i32
      %dma_start3A_96 = tpu.memref_slice %arg2[%dma_start3A_94, %dma_start3A_95] : memref<10000x64xi32, #tpu.memory_space<hbm>> -> memref<10000x64xi32, #tpu.memory_space<hbm>>
      tpu.enqueue_indirect_dma source(%dma_start3A_96 : memref<10000x64xi32, #tpu.memory_space<hbm>>) target(%arg11 : memref<80x64xi32, #tpu.memory_space<vmem>>) offsets(%arg7 : memref<80xi32, #tpu.memory_space<vmem>>) semaphore(%arg21 : memref<!tpu.dma_semaphore, #tpu.memory_space<semaphore_mem>>)
      %dma_start3A_97 = arith.constant 0 : i32
      %dma_start3A_98 = arith.constant 0 : i32
      %dma_start3A_99 = tpu.memref_slice %arg3[%dma_start3A_97, %dma_start3A_98] : memref<10000x64xi32, #tpu.memory_space<hbm>> -> memref<10000x64xi32, #tpu.memory_space<hbm>>
      tpu.enqueue_indirect_dma source(%dma_start3A_99 : memref<10000x64xi32, #tpu.memory_space<hbm>>) target(%arg13 : memref<80x64xi32, #tpu.memory_space<vmem>>) offsets(%arg9 : memref<80xi32, #tpu.memory_space<vmem>>) semaphore(%arg23 : memref<!tpu.dma_semaphore, #tpu.memory_space<semaphore_mem>>)
      %dma_wait3A_100 = arith.constant 0 : i32
      %dma_wait3A_101 = arith.constant 0 : i32
      %dma_wait3A_102 = tpu.memref_slice %arg2[%dma_wait3A_100, %dma_wait3A_101] : memref<10000x64xi32, #tpu.memory_space<hbm>> -> memref<10000x64xi32, #tpu.memory_space<hbm>>
      tpu.wait_indirect_dma semaphore(%arg22 : memref<!tpu.dma_semaphore, #tpu.memory_space<semaphore_mem>>) src(%dma_wait3A_102 : memref<10000x64xi32, #tpu.memory_space<hbm>>) dst(%arg12 : memref<80x64xi32, #tpu.memory_space<vmem>>)
      %dma_wait3A_103 = arith.constant 0 : i32
      %dma_wait3A_104 = arith.constant 0 : i32
      %dma_wait3A_105 = tpu.memref_slice %arg3[%dma_wait3A_103, %dma_wait3A_104] : memref<10000x64xi32, #tpu.memory_space<hbm>> -> memref<10000x64xi32, #tpu.memory_space<hbm>>
      tpu.wait_indirect_dma semaphore(%arg24 : memref<!tpu.dma_semaphore, #tpu.memory_space<semaphore_mem>>) src(%dma_wait3A_105 : memref<10000x64xi32, #tpu.memory_space<hbm>>) dst(%arg14 : memref<80x64xi32, #tpu.memory_space<vmem>>)
      %scan3A_106 = arith.constant 0 : i32
      %scan3A_107 = arith.constant 0 : i32
      %scan3A_108 = arith.constant 40 : i32
      %scan3A_109 = arith.addi %scan3A_107, %scan3A_108 : i32
      %scan3A_110 = arith.constant 1 : i32
      scf.for %scan3A_117 = %scan3A_107 to %scan3A_109 step %scan3A_110  : i32 {
        %mul3A_118 = arith.constant 2 : i32
        %mul3A_119 = arith.muli %mul3A_118, %scan3A_117 : i32
        %add3A_120 = arith.constant 0 : i32
        %add3A_121 = arith.addi %mul3A_119, %add3A_120 : i32
        %get3A = arith.index_cast %add3A_121 : i32 to index
        %get3A_122 = arith.constant 0 : index
        %get3A_123 = tpu.vector_load %arg12[%get3A, %get3A_122] {strides = array<i32>} : memref<80x64xi32, #tpu.memory_space<vmem>>, vector<16xi32>,
        %mul3A_124 = arith.constant 2 : i32
        %mul3A_125 = arith.muli %mul3A_124, %scan3A_117 : i32
        %add3A_126 = arith.constant 0 : i32
        %add3A_127 = arith.addi %mul3A_125, %add3A_126 : i32
        %get3A_128 = arith.index_cast %add3A_127 : i32 to index
        %get3A_129 = arith.constant 0 : index
        %get3A_130 = tpu.vector_load %arg14[%get3A_128, %get3A_129] {strides = array<i32>} : memref<80x64xi32, #tpu.memory_space<vmem>>, vector<16xi32>,
        %bitcast3A = vector.bitcast %get3A_123 : vector<16xi32> to vector<32xbf16>
        %bitcast3A_131 = vector.bitcast %get3A_130 : vector<16xi32> to vector<32xbf16>
        %add3A_132 = arith.addf %bitcast3A, %bitcast3A_131 : vector<32xbf16>
        %bitcast3A_133 = vector.bitcast %add3A_132 : vector<32xbf16> to vector<16xi32>
        %swap3A = arith.index_cast %scan3A_117 : i32 to index
        %swap3A_134 = arith.constant 0 : index
        %swap3A_135 = tpu.vector_load %arg16[%swap3A, %swap3A_134] {strides = array<i32>} : memref<40x128xi32, #tpu.memory_space<vmem>>, vector<16xi32>,
        tpu.vector_store %arg16[%swap3A, %swap3A_134], %bitcast3A_133 {strides = array<i32>} : memref<40x128xi32, #tpu.memory_space<vmem>>, vector<16xi32>,
        %mul3A_136 = arith.constant 2 : i32
        %mul3A_137 = arith.muli %mul3A_136, %scan3A_117 : i32
        %add3A_138 = arith.constant 0 : i32
        %add3A_139 = arith.addi %mul3A_137, %add3A_138 : i32
        %get3A_140 = arith.index_cast %add3A_139 : i32 to index
        %get3A_141 = arith.constant 16 : index
        %get3A_142 = tpu.vector_load %arg12[%get3A_140, %get3A_141] {strides = array<i32>} : memref<80x64xi32, #tpu.memory_space<vmem>>, vector<16xi32>,
        %mul3A_143 = arith.constant 2 : i32
        %mul3A_144 = arith.muli %mul3A_143, %scan3A_117 : i32
        %add3A_145 = arith.constant 0 : i32
        %add3A_146 = arith.addi %mul3A_144, %add3A_145 : i32
        %get3A_147 = arith.index_cast %add3A_146 : i32 to index
        %get3A_148 = arith.constant 16 : index
        %get3A_149 = tpu.vector_load %arg14[%get3A_147, %get3A_148] {strides = array<i32>} : memref<80x64xi32, #tpu.memory_space<vmem>>, vector<16xi32>,
        %bitcast3A_150 = vector.bitcast %get3A_142 : vector<16xi32> to vector<32xbf16>
        %bitcast3A_151 = vector.bitcast %get3A_149 : vector<16xi32> to vector<32xbf16>
        %add3A_152 = arith.addf %bitcast3A_150, %bitcast3A_151 : vector<32xbf16>
        %bitcast3A_153 = vector.bitcast %add3A_152 : vector<32xbf16> to vector<16xi32>
        %swap3A_154 = arith.index_cast %scan3A_117 : i32 to index
        %swap3A_155 = arith.constant 16 : index
        %swap3A_156 = tpu.vector_load %arg16[%swap3A_154, %swap3A_155] {strides = array<i32>} : memref<40x128xi32, #tpu.memory_space<vmem>>, vector<16xi32>,
        tpu.vector_store %arg16[%swap3A_154, %swap3A_155], %bitcast3A_153 {strides = array<i32>} : memref<40x128xi32, #tpu.memory_space<vmem>>, vector<16xi32>,
        %mul3A_157 = arith.constant 2 : i32
        %mul3A_158 = arith.muli %mul3A_157, %scan3A_117 : i32
        %add3A_159 = arith.constant 0 : i32
        %add3A_160 = arith.addi %mul3A_158, %add3A_159 : i32
        %get3A_161 = arith.index_cast %add3A_160 : i32 to index
        %get3A_162 = arith.constant 32 : index
        %get3A_163 = tpu.vector_load %arg12[%get3A_161, %get3A_162] {strides = array<i32>} : memref<80x64xi32, #tpu.memory_space<vmem>>, vector<16xi32>,
        %mul3A_164 = arith.constant 2 : i32
        %mul3A_165 = arith.muli %mul3A_164, %scan3A_117 : i32
        %add3A_166 = arith.constant 0 : i32
        %add3A_167 = arith.addi %mul3A_165, %add3A_166 : i32
        %get3A_168 = arith.index_cast %add3A_167 : i32 to index
        %get3A_169 = arith.constant 32 : index
        %get3A_170 = tpu.vector_load %arg14[%get3A_168, %get3A_169] {strides = array<i32>} : memref<80x64xi32, #tpu.memory_space<vmem>>, vector<16xi32>,
        %bitcast3A_171 = vector.bitcast %get3A_163 : vector<16xi32> to vector<32xbf16>
        %bitcast3A_172 = vector.bitcast %get3A_170 : vector<16xi32> to vector<32xbf16>
        %add3A_173 = arith.addf %bitcast3A_171, %bitcast3A_172 : vector<32xbf16>
        %bitcast3A_174 = vector.bitcast %add3A_173 : vector<32xbf16> to vector<16xi32>
        %swap3A_175 = arith.index_cast %scan3A_117 : i32 to index
        %swap3A_176 = arith.constant 32 : index
        %swap3A_177 = tpu.vector_load %arg16[%swap3A_175, %swap3A_176] {strides = array<i32>} : memref<40x128xi32, #tpu.memory_space<vmem>>, vector<16xi32>,
        tpu.vector_store %arg16[%swap3A_175, %swap3A_176], %bitcast3A_174 {strides = array<i32>} : memref<40x128xi32, #tpu.memory_space<vmem>>, vector<16xi32>,
        %mul3A_178 = arith.constant 2 : i32
        %mul3A_179 = arith.muli %mul3A_178, %scan3A_117 : i32
        %add3A_180 = arith.constant 0 : i32
        %add3A_181 = arith.addi %mul3A_179, %add3A_180 : i32
        %get3A_182 = arith.index_cast %add3A_181 : i32 to index
        %get3A_183 = arith.constant 48 : index
        %get3A_184 = tpu.vector_load %arg12[%get3A_182, %get3A_183] {strides = array<i32>} : memref<80x64xi32, #tpu.memory_space<vmem>>, vector<16xi32>,
        %mul3A_185 = arith.constant 2 : i32
        %mul3A_186 = arith.muli %mul3A_185, %scan3A_117 : i32
        %add3A_187 = arith.constant 0 : i32
        %add3A_188 = arith.addi %mul3A_186, %add3A_187 : i32
        %get3A_189 = arith.index_cast %add3A_188 : i32 to index
        %get3A_190 = arith.constant 48 : index
        %get3A_191 = tpu.vector_load %arg14[%get3A_189, %get3A_190] {strides = array<i32>} : memref<80x64xi32, #tpu.memory_space<vmem>>, vector<16xi32>,
        %bitcast3A_192 = vector.bitcast %get3A_184 : vector<16xi32> to vector<32xbf16>
        %bitcast3A_193 = vector.bitcast %get3A_191 : vector<16xi32> to vector<32xbf16>
        %add3A_194 = arith.addf %bitcast3A_192, %bitcast3A_193 : vector<32xbf16>
        %bitcast3A_195 = vector.bitcast %add3A_194 : vector<32xbf16> to vector<16xi32>
        %swap3A_196 = arith.index_cast %scan3A_117 : i32 to index
        %swap3A_197 = arith.constant 48 : index
        %swap3A_198 = tpu.vector_load %arg16[%swap3A_196, %swap3A_197] {strides = array<i32>} : memref<40x128xi32, #tpu.memory_space<vmem>>, vector<16xi32>,
        tpu.vector_store %arg16[%swap3A_196, %swap3A_197], %bitcast3A_195 {strides = array<i32>} : memref<40x128xi32, #tpu.memory_space<vmem>>, vector<16xi32>,
        %mul3A_199 = arith.constant 2 : i32
        %mul3A_200 = arith.muli %mul3A_199, %scan3A_117 : i32
        %add3A_201 = arith.constant 1 : i32
        %add3A_202 = arith.addi %mul3A_200, %add3A_201 : i32
        %get3A_203 = arith.index_cast %add3A_202 : i32 to index
        %get3A_204 = arith.constant 0 : index
        %get3A_205 = tpu.vector_load %arg12[%get3A_203, %get3A_204] {strides = array<i32>} : memref<80x64xi32, #tpu.memory_space<vmem>>, vector<16xi32>,
        %mul3A_206 = arith.constant 2 : i32
        %mul3A_207 = arith.muli %mul3A_206, %scan3A_117 : i32
        %add3A_208 = arith.constant 1 : i32
        %add3A_209 = arith.addi %mul3A_207, %add3A_208 : i32
        %get3A_210 = arith.index_cast %add3A_209 : i32 to index
        %get3A_211 = arith.constant 0 : index
        %get3A_212 = tpu.vector_load %arg14[%get3A_210, %get3A_211] {strides = array<i32>} : memref<80x64xi32, #tpu.memory_space<vmem>>, vector<16xi32>,
        %bitcast3A_213 = vector.bitcast %get3A_205 : vector<16xi32> to vector<32xbf16>
        %bitcast3A_214 = vector.bitcast %get3A_212 : vector<16xi32> to vector<32xbf16>
        %add3A_215 = arith.addf %bitcast3A_213, %bitcast3A_214 : vector<32xbf16>
        %bitcast3A_216 = vector.bitcast %add3A_215 : vector<32xbf16> to vector<16xi32>
        %swap3A_217 = arith.index_cast %scan3A_117 : i32 to index
        %swap3A_218 = arith.constant 64 : index
        %swap3A_219 = tpu.vector_load %arg16[%swap3A_217, %swap3A_218] {strides = array<i32>} : memref<40x128xi32, #tpu.memory_space<vmem>>, vector<16xi32>,
        tpu.vector_store %arg16[%swap3A_217, %swap3A_218], %bitcast3A_216 {strides = array<i32>} : memref<40x128xi32, #tpu.memory_space<vmem>>, vector<16xi32>,
        %mul3A_220 = arith.constant 2 : i32
        %mul3A_221 = arith.muli %mul3A_220, %scan3A_117 : i32
        %add3A_222 = arith.constant 1 : i32
        %add3A_223 = arith.addi %mul3A_221, %add3A_222 : i32
        %get3A_224 = arith.index_cast %add3A_223 : i32 to index
        %get3A_225 = arith.constant 16 : index
        %get3A_226 = tpu.vector_load %arg12[%get3A_224, %get3A_225] {strides = array<i32>} : memref<80x64xi32, #tpu.memory_space<vmem>>, vector<16xi32>,
        %mul3A_227 = arith.constant 2 : i32
        %mul3A_228 = arith.muli %mul3A_227, %scan3A_117 : i32
        %add3A_229 = arith.constant 1 : i32
        %add3A_230 = arith.addi %mul3A_228, %add3A_229 : i32
        %get3A_231 = arith.index_cast %add3A_230 : i32 to index
        %get3A_232 = arith.constant 16 : index
        %get3A_233 = tpu.vector_load %arg14[%get3A_231, %get3A_232] {strides = array<i32>} : memref<80x64xi32, #tpu.memory_space<vmem>>, vector<16xi32>,
        %bitcast3A_234 = vector.bitcast %get3A_226 : vector<16xi32> to vector<32xbf16>
        %bitcast3A_235 = vector.bitcast %get3A_233 : vector<16xi32> to vector<32xbf16>
        %add3A_236 = arith.addf %bitcast3A_234, %bitcast3A_235 : vector<32xbf16>
        %bitcast3A_237 = vector.bitcast %add3A_236 : vector<32xbf16> to vector<16xi32>
        %swap3A_238 = arith.index_cast %scan3A_117 : i32 to index
        %swap3A_239 = arith.constant 80 : index
        %swap3A_240 = tpu.vector_load %arg16[%swap3A_238, %swap3A_239] {strides = array<i32>} : memref<40x128xi32, #tpu.memory_space<vmem>>, vector<16xi32>,
        tpu.vector_store %arg16[%swap3A_238, %swap3A_239], %bitcast3A_237 {strides = array<i32>} : memref<40x128xi32, #tpu.memory_space<vmem>>, vector<16xi32>,
        %mul3A_241 = arith.constant 2 : i32
        %mul3A_242 = arith.muli %mul3A_241, %scan3A_117 : i32
        %add3A_243 = arith.constant 1 : i32
        %add3A_244 = arith.addi %mul3A_242, %add3A_243 : i32
        %get3A_245 = arith.index_cast %add3A_244 : i32 to index
        %get3A_246 = arith.constant 32 : index
        %get3A_247 = tpu.vector_load %arg12[%get3A_245, %get3A_246] {strides = array<i32>} : memref<80x64xi32, #tpu.memory_space<vmem>>, vector<16xi32>,
        %mul3A_248 = arith.constant 2 : i32
        %mul3A_249 = arith.muli %mul3A_248, %scan3A_117 : i32
        %add3A_250 = arith.constant 1 : i32
        %add3A_251 = arith.addi %mul3A_249, %add3A_250 : i32
        %get3A_252 = arith.index_cast %add3A_251 : i32 to index
        %get3A_253 = arith.constant 32 : index
        %get3A_254 = tpu.vector_load %arg14[%get3A_252, %get3A_253] {strides = array<i32>} : memref<80x64xi32, #tpu.memory_space<vmem>>, vector<16xi32>,
        %bitcast3A_255 = vector.bitcast %get3A_247 : vector<16xi32> to vector<32xbf16>
        %bitcast3A_256 = vector.bitcast %get3A_254 : vector<16xi32> to vector<32xbf16>
        %add3A_257 = arith.addf %bitcast3A_255, %bitcast3A_256 : vector<32xbf16>
        %bitcast3A_258 = vector.bitcast %add3A_257 : vector<32xbf16> to vector<16xi32>
        %swap3A_259 = arith.index_cast %scan3A_117 : i32 to index
        %swap3A_260 = arith.constant 96 : index
        %swap3A_261 = tpu.vector_load %arg16[%swap3A_259, %swap3A_260] {strides = array<i32>} : memref<40x128xi32, #tpu.memory_space<vmem>>, vector<16xi32>,
        tpu.vector_store %arg16[%swap3A_259, %swap3A_260], %bitcast3A_258 {strides = array<i32>} : memref<40x128xi32, #tpu.memory_space<vmem>>, vector<16xi32>,
        %mul3A_262 = arith.constant 2 : i32
        %mul3A_263 = arith.muli %mul3A_262, %scan3A_117 : i32
        %add3A_264 = arith.constant 1 : i32
        %add3A_265 = arith.addi %mul3A_263, %add3A_264 : i32
        %get3A_266 = arith.index_cast %add3A_265 : i32 to index
        %get3A_267 = arith.constant 48 : index
        %get3A_268 = tpu.vector_load %arg12[%get3A_266, %get3A_267] {strides = array<i32>} : memref<80x64xi32, #tpu.memory_space<vmem>>, vector<16xi32>,
        %mul3A_269 = arith.constant 2 : i32
        %mul3A_270 = arith.muli %mul3A_269, %scan3A_117 : i32
        %add3A_271 = arith.constant 1 : i32
        %add3A_272 = arith.addi %mul3A_270, %add3A_271 : i32
        %get3A_273 = arith.index_cast %add3A_272 : i32 to index
        %get3A_274 = arith.constant 48 : index
        %get3A_275 = tpu.vector_load %arg14[%get3A_273, %get3A_274] {strides = array<i32>} : memref<80x64xi32, #tpu.memory_space<vmem>>, vector<16xi32>,
        %bitcast3A_276 = vector.bitcast %get3A_268 : vector<16xi32> to vector<32xbf16>
        %bitcast3A_277 = vector.bitcast %get3A_275 : vector<16xi32> to vector<32xbf16>
        %add3A_278 = arith.addf %bitcast3A_276, %bitcast3A_277 : vector<32xbf16>
        %bitcast3A_279 = vector.bitcast %add3A_278 : vector<32xbf16> to vector<16xi32>
        %swap3A_280 = arith.index_cast %scan3A_117 : i32 to index
        %swap3A_281 = arith.constant 112 : index
        %swap3A_282 = tpu.vector_load %arg16[%swap3A_280, %swap3A_281] {strides = array<i32>} : memref<40x128xi32, #tpu.memory_space<vmem>>, vector<16xi32>,
        tpu.vector_store %arg16[%swap3A_280, %swap3A_281], %bitcast3A_279 {strides = array<i32>} : memref<40x128xi32, #tpu.memory_space<vmem>>, vector<16xi32>,
      }
      %scan3A_111 = arith.constant 40 : i32
      %mul3A_112 = arith.constant 40 : i32
      %mul3A_113 = arith.muli %add3A_50, %mul3A_112 : i32
      %add3A_114 = arith.addi %mul3A_4, %mul3A_113 : i32
      "tpu.region"() ({
        %run_scoped3A = tpu.sem_alloc : memref<!tpu.dma_semaphore, #tpu.memory_space<semaphore_mem>>
        %dma_start3A_117 = arith.constant 0 : i32
        %dma_start3A_118 = tpu.memref_slice %arg6[%add3A_114, %dma_start3A_117] : memref<160000x128xi32, #tpu.memory_space<hbm>> -> memref<40x128xi32, #tpu.memory_space<hbm>>
        %dma_start3A_119 = arith.constant 0 : i32
        %dma_start3A_120 = tpu.memref_slice %arg6[%add3A_114, %dma_start3A_119] : memref<160000x128xi32, #tpu.memory_space<hbm>> -> memref<40x128xi32, #tpu.memory_space<hbm>>
        tpu.enqueue_dma source(%arg16 : memref<40x128xi32, #tpu.memory_space<vmem>>) target(%dma_start3A_120 : memref<40x128xi32, #tpu.memory_space<hbm>>) target_semaphore(%run_scoped3A : memref<!tpu.dma_semaphore, #tpu.memory_space<semaphore_mem>>)
        %dma_wait3A_121 = arith.constant 0 : i32
        %dma_wait3A_122 = tpu.memref_slice %arg6[%add3A_114, %dma_wait3A_121] : memref<160000x128xi32, #tpu.memory_space<hbm>> -> memref<40x128xi32, #tpu.memory_space<hbm>>
        %dma_wait3A_123 = arith.constant 0 : i32
        %dma_wait3A_124 = tpu.memref_slice %arg6[%add3A_114, %dma_wait3A_123] : memref<160000x128xi32, #tpu.memory_space<hbm>> -> memref<40x128xi32, #tpu.memory_space<hbm>>
        tpu.wait_dma2 semaphore(%run_scoped3A : memref<!tpu.dma_semaphore, #tpu.memory_space<semaphore_mem>>) src(%arg16 : memref<40x128xi32, #tpu.memory_space<vmem>>) dst(%dma_wait3A_124 : memref<40x128xi32, #tpu.memory_space<hbm>>)
        tpu.yield
      }) : () -> ()
      %lt3A = arith.constant 61 : i32
      %lt3A_115 = arith.cmpi slt, %scan3A_46, %lt3A : i32
      %convert_element_type3A = arith.extui %lt3A_115 : i1 to i32
      %cond3A = arith.constant 0 : i32
      %cond3A_116 = arith.cmpi ne, %convert_element_type3A, %cond3A : i32
      scf.if %cond3A_116 {
        %add3A_117 = arith.constant 2 : i32
        %add3A_118 = arith.addi %add3A_50, %add3A_117 : i32
        %mul3A_119 = arith.constant 80 : i32
        %mul3A_120 = arith.muli %add3A_118, %mul3A_119 : i32
        %add3A_121 = arith.addi %mul3A_2, %mul3A_120 : i32
        %dma_start3A_122 = tpu.memref_slice %arg4[%add3A_121] : memref<320000xi32, #tpu.memory_space<hbm>> -> memref<80xi32, #tpu.memory_space<hbm>>
        %dma_start3A_123 = tpu.memref_slice %arg4[%add3A_121] : memref<320000xi32, #tpu.memory_space<hbm>> -> memref<80xi32, #tpu.memory_space<hbm>>
        tpu.enqueue_dma source(%dma_start3A_123 : memref<80xi32, #tpu.memory_space<hbm>>) target(%arg8 : memref<80xi32, #tpu.memory_space<vmem>>) target_semaphore(%arg18 : memref<!tpu.dma_semaphore, #tpu.memory_space<semaphore_mem>>)
        %dma_start3A_124 = tpu.memref_slice %arg5[%add3A_121] : memref<320000xi32, #tpu.memory_space<hbm>> -> memref<80xi32, #tpu.memory_space<hbm>>
        %dma_start3A_125 = tpu.memref_slice %arg5[%add3A_121] : memref<320000xi32, #tpu.memory_space<hbm>> -> memref<80xi32, #tpu.memory_space<hbm>>
        tpu.enqueue_dma source(%dma_start3A_125 : memref<80xi32, #tpu.memory_space<hbm>>) target(%arg10 : memref<80xi32, #tpu.memory_space<vmem>>) target_semaphore(%arg20 : memref<!tpu.dma_semaphore, #tpu.memory_space<semaphore_mem>>)
      } else {
      }
    }
    %scan3A_31 = arith.constant 62 : i32
    %dma_wait3A_32 = arith.constant 0 : i32
    %dma_wait3A_33 = arith.constant 0 : i32
    %dma_wait3A_34 = tpu.memref_slice %arg2[%dma_wait3A_32, %dma_wait3A_33] : memref<10000x64xi32, #tpu.memory_space<hbm>> -> memref<10000x64xi32, #tpu.memory_space<hbm>>
    tpu.wait_indirect_dma semaphore(%arg21 : memref<!tpu.dma_semaphore, #tpu.memory_space<semaphore_mem>>) src(%dma_wait3A_34 : memref<10000x64xi32, #tpu.memory_space<hbm>>) dst(%arg11 : memref<80x64xi32, #tpu.memory_space<vmem>>)
    %dma_wait3A_35 = arith.constant 0 : i32
    %dma_wait3A_36 = arith.constant 0 : i32
    %dma_wait3A_37 = tpu.memref_slice %arg3[%dma_wait3A_35, %dma_wait3A_36] : memref<10000x64xi32, #tpu.memory_space<hbm>> -> memref<10000x64xi32, #tpu.memory_space<hbm>>
    tpu.wait_indirect_dma semaphore(%arg23 : memref<!tpu.dma_semaphore, #tpu.memory_space<semaphore_mem>>) src(%dma_wait3A_37 : memref<10000x64xi32, #tpu.memory_space<hbm>>) dst(%arg13 : memref<80x64xi32, #tpu.memory_space<vmem>>)
    %scan3A_38 = arith.constant 0 : i32
    %scan3A_39 = arith.constant 0 : i32
    %scan3A_40 = arith.constant 40 : i32
    %scan3A_41 = arith.addi %scan3A_39, %scan3A_40 : i32
    %scan3A_42 = arith.constant 1 : i32
    scf.for %scan3A_46 = %scan3A_39 to %scan3A_41 step %scan3A_42  : i32 {
      %mul3A_47 = arith.constant 2 : i32
      %mul3A_48 = arith.muli %mul3A_47, %scan3A_46 : i32
      %add3A_49 = arith.constant 0 : i32
      %add3A_50 = arith.addi %mul3A_48, %add3A_49 : i32
      %get3A = arith.index_cast %add3A_50 : i32 to index
      %get3A_51 = arith.constant 0 : index
      %get3A_52 = tpu.vector_load %arg11[%get3A, %get3A_51] {strides = array<i32>} : memref<80x64xi32, #tpu.memory_space<vmem>>, vector<16xi32>,
      %mul3A_53 = arith.constant 2 : i32
      %mul3A_54 = arith.muli %mul3A_53, %scan3A_46 : i32
      %add3A_55 = arith.constant 0 : i32
      %add3A_56 = arith.addi %mul3A_54, %add3A_55 : i32
      %get3A_57 = arith.index_cast %add3A_56 : i32 to index
      %get3A_58 = arith.constant 0 : index
      %get3A_59 = tpu.vector_load %arg13[%get3A_57, %get3A_58] {strides = array<i32>} : memref<80x64xi32, #tpu.memory_space<vmem>>, vector<16xi32>,
      %bitcast3A = vector.bitcast %get3A_52 : vector<16xi32> to vector<32xbf16>
      %bitcast3A_60 = vector.bitcast %get3A_59 : vector<16xi32> to vector<32xbf16>
      %add3A_61 = arith.addf %bitcast3A, %bitcast3A_60 : vector<32xbf16>
      %bitcast3A_62 = vector.bitcast %add3A_61 : vector<32xbf16> to vector<16xi32>
      %swap3A = arith.index_cast %scan3A_46 : i32 to index
      %swap3A_63 = arith.constant 0 : index
      %swap3A_64 = tpu.vector_load %arg15[%swap3A, %swap3A_63] {strides = array<i32>} : memref<40x128xi32, #tpu.memory_space<vmem>>, vector<16xi32>,
      tpu.vector_store %arg15[%swap3A, %swap3A_63], %bitcast3A_62 {strides = array<i32>} : memref<40x128xi32, #tpu.memory_space<vmem>>, vector<16xi32>,
      %mul3A_65 = arith.constant 2 : i32
      %mul3A_66 = arith.muli %mul3A_65, %scan3A_46 : i32
      %add3A_67 = arith.constant 0 : i32
      %add3A_68 = arith.addi %mul3A_66, %add3A_67 : i32
      %get3A_69 = arith.index_cast %add3A_68 : i32 to index
      %get3A_70 = arith.constant 16 : index
      %get3A_71 = tpu.vector_load %arg11[%get3A_69, %get3A_70] {strides = array<i32>} : memref<80x64xi32, #tpu.memory_space<vmem>>, vector<16xi32>,
      %mul3A_72 = arith.constant 2 : i32
      %mul3A_73 = arith.muli %mul3A_72, %scan3A_46 : i32
      %add3A_74 = arith.constant 0 : i32
      %add3A_75 = arith.addi %mul3A_73, %add3A_74 : i32
      %get3A_76 = arith.index_cast %add3A_75 : i32 to index
      %get3A_77 = arith.constant 16 : index
      %get3A_78 = tpu.vector_load %arg13[%get3A_76, %get3A_77] {strides = array<i32>} : memref<80x64xi32, #tpu.memory_space<vmem>>, vector<16xi32>,
      %bitcast3A_79 = vector.bitcast %get3A_71 : vector<16xi32> to vector<32xbf16>
      %bitcast3A_80 = vector.bitcast %get3A_78 : vector<16xi32> to vector<32xbf16>
      %add3A_81 = arith.addf %bitcast3A_79, %bitcast3A_80 : vector<32xbf16>
      %bitcast3A_82 = vector.bitcast %add3A_81 : vector<32xbf16> to vector<16xi32>
      %swap3A_83 = arith.index_cast %scan3A_46 : i32 to index
      %swap3A_84 = arith.constant 16 : index
      %swap3A_85 = tpu.vector_load %arg15[%swap3A_83, %swap3A_84] {strides = array<i32>} : memref<40x128xi32, #tpu.memory_space<vmem>>, vector<16xi32>,
      tpu.vector_store %arg15[%swap3A_83, %swap3A_84], %bitcast3A_82 {strides = array<i32>} : memref<40x128xi32, #tpu.memory_space<vmem>>, vector<16xi32>,
      %mul3A_86 = arith.constant 2 : i32
      %mul3A_87 = arith.muli %mul3A_86, %scan3A_46 : i32
      %add3A_88 = arith.constant 0 : i32
      %add3A_89 = arith.addi %mul3A_87, %add3A_88 : i32
      %get3A_90 = arith.index_cast %add3A_89 : i32 to index
      %get3A_91 = arith.constant 32 : index
      %get3A_92 = tpu.vector_load %arg11[%get3A_90, %get3A_91] {strides = array<i32>} : memref<80x64xi32, #tpu.memory_space<vmem>>, vector<16xi32>,
      %mul3A_93 = arith.constant 2 : i32
      %mul3A_94 = arith.muli %mul3A_93, %scan3A_46 : i32
      %add3A_95 = arith.constant 0 : i32
      %add3A_96 = arith.addi %mul3A_94, %add3A_95 : i32
      %get3A_97 = arith.index_cast %add3A_96 : i32 to index
      %get3A_98 = arith.constant 32 : index
      %get3A_99 = tpu.vector_load %arg13[%get3A_97, %get3A_98] {strides = array<i32>} : memref<80x64xi32, #tpu.memory_space<vmem>>, vector<16xi32>,
      %bitcast3A_100 = vector.bitcast %get3A_92 : vector<16xi32> to vector<32xbf16>
      %bitcast3A_101 = vector.bitcast %get3A_99 : vector<16xi32> to vector<32xbf16>
      %add3A_102 = arith.addf %bitcast3A_100, %bitcast3A_101 : vector<32xbf16>
      %bitcast3A_103 = vector.bitcast %add3A_102 : vector<32xbf16> to vector<16xi32>
      %swap3A_104 = arith.index_cast %scan3A_46 : i32 to index
      %swap3A_105 = arith.constant 32 : index
      %swap3A_106 = tpu.vector_load %arg15[%swap3A_104, %swap3A_105] {strides = array<i32>} : memref<40x128xi32, #tpu.memory_space<vmem>>, vector<16xi32>,
      tpu.vector_store %arg15[%swap3A_104, %swap3A_105], %bitcast3A_103 {strides = array<i32>} : memref<40x128xi32, #tpu.memory_space<vmem>>, vector<16xi32>,
      %mul3A_107 = arith.constant 2 : i32
      %mul3A_108 = arith.muli %mul3A_107, %scan3A_46 : i32
      %add3A_109 = arith.constant 0 : i32
      %add3A_110 = arith.addi %mul3A_108, %add3A_109 : i32
      %get3A_111 = arith.index_cast %add3A_110 : i32 to index
      %get3A_112 = arith.constant 48 : index
      %get3A_113 = tpu.vector_load %arg11[%get3A_111, %get3A_112] {strides = array<i32>} : memref<80x64xi32, #tpu.memory_space<vmem>>, vector<16xi32>,
      %mul3A_114 = arith.constant 2 : i32
      %mul3A_115 = arith.muli %mul3A_114, %scan3A_46 : i32
      %add3A_116 = arith.constant 0 : i32
      %add3A_117 = arith.addi %mul3A_115, %add3A_116 : i32
      %get3A_118 = arith.index_cast %add3A_117 : i32 to index
      %get3A_119 = arith.constant 48 : index
      %get3A_120 = tpu.vector_load %arg13[%get3A_118, %get3A_119] {strides = array<i32>} : memref<80x64xi32, #tpu.memory_space<vmem>>, vector<16xi32>,
      %bitcast3A_121 = vector.bitcast %get3A_113 : vector<16xi32> to vector<32xbf16>
      %bitcast3A_122 = vector.bitcast %get3A_120 : vector<16xi32> to vector<32xbf16>
      %add3A_123 = arith.addf %bitcast3A_121, %bitcast3A_122 : vector<32xbf16>
      %bitcast3A_124 = vector.bitcast %add3A_123 : vector<32xbf16> to vector<16xi32>
      %swap3A_125 = arith.index_cast %scan3A_46 : i32 to index
      %swap3A_126 = arith.constant 48 : index
      %swap3A_127 = tpu.vector_load %arg15[%swap3A_125, %swap3A_126] {strides = array<i32>} : memref<40x128xi32, #tpu.memory_space<vmem>>, vector<16xi32>,
      tpu.vector_store %arg15[%swap3A_125, %swap3A_126], %bitcast3A_124 {strides = array<i32>} : memref<40x128xi32, #tpu.memory_space<vmem>>, vector<16xi32>,
      %mul3A_128 = arith.constant 2 : i32
      %mul3A_129 = arith.muli %mul3A_128, %scan3A_46 : i32
      %add3A_130 = arith.constant 1 : i32
      %add3A_131 = arith.addi %mul3A_129, %add3A_130 : i32
      %get3A_132 = arith.index_cast %add3A_131 : i32 to index
      %get3A_133 = arith.constant 0 : index
      %get3A_134 = tpu.vector_load %arg11[%get3A_132, %get3A_133] {strides = array<i32>} : memref<80x64xi32, #tpu.memory_space<vmem>>, vector<16xi32>,
      %mul3A_135 = arith.constant 2 : i32
      %mul3A_136 = arith.muli %mul3A_135, %scan3A_46 : i32
      %add3A_137 = arith.constant 1 : i32
      %add3A_138 = arith.addi %mul3A_136, %add3A_137 : i32
      %get3A_139 = arith.index_cast %add3A_138 : i32 to index
      %get3A_140 = arith.constant 0 : index
      %get3A_141 = tpu.vector_load %arg13[%get3A_139, %get3A_140] {strides = array<i32>} : memref<80x64xi32, #tpu.memory_space<vmem>>, vector<16xi32>,
      %bitcast3A_142 = vector.bitcast %get3A_134 : vector<16xi32> to vector<32xbf16>
      %bitcast3A_143 = vector.bitcast %get3A_141 : vector<16xi32> to vector<32xbf16>
      %add3A_144 = arith.addf %bitcast3A_142, %bitcast3A_143 : vector<32xbf16>
      %bitcast3A_145 = vector.bitcast %add3A_144 : vector<32xbf16> to vector<16xi32>
      %swap3A_146 = arith.index_cast %scan3A_46 : i32 to index
      %swap3A_147 = arith.constant 64 : index
      %swap3A_148 = tpu.vector_load %arg15[%swap3A_146, %swap3A_147] {strides = array<i32>} : memref<40x128xi32, #tpu.memory_space<vmem>>, vector<16xi32>,
      tpu.vector_store %arg15[%swap3A_146, %swap3A_147], %bitcast3A_145 {strides = array<i32>} : memref<40x128xi32, #tpu.memory_space<vmem>>, vector<16xi32>,
      %mul3A_149 = arith.constant 2 : i32
      %mul3A_150 = arith.muli %mul3A_149, %scan3A_46 : i32
      %add3A_151 = arith.constant 1 : i32
      %add3A_152 = arith.addi %mul3A_150, %add3A_151 : i32
      %get3A_153 = arith.index_cast %add3A_152 : i32 to index
      %get3A_154 = arith.constant 16 : index
      %get3A_155 = tpu.vector_load %arg11[%get3A_153, %get3A_154] {strides = array<i32>} : memref<80x64xi32, #tpu.memory_space<vmem>>, vector<16xi32>,
      %mul3A_156 = arith.constant 2 : i32
      %mul3A_157 = arith.muli %mul3A_156, %scan3A_46 : i32
      %add3A_158 = arith.constant 1 : i32
      %add3A_159 = arith.addi %mul3A_157, %add3A_158 : i32
      %get3A_160 = arith.index_cast %add3A_159 : i32 to index
      %get3A_161 = arith.constant 16 : index
      %get3A_162 = tpu.vector_load %arg13[%get3A_160, %get3A_161] {strides = array<i32>} : memref<80x64xi32, #tpu.memory_space<vmem>>, vector<16xi32>,
      %bitcast3A_163 = vector.bitcast %get3A_155 : vector<16xi32> to vector<32xbf16>
      %bitcast3A_164 = vector.bitcast %get3A_162 : vector<16xi32> to vector<32xbf16>
      %add3A_165 = arith.addf %bitcast3A_163, %bitcast3A_164 : vector<32xbf16>
      %bitcast3A_166 = vector.bitcast %add3A_165 : vector<32xbf16> to vector<16xi32>
      %swap3A_167 = arith.index_cast %scan3A_46 : i32 to index
      %swap3A_168 = arith.constant 80 : index
      %swap3A_169 = tpu.vector_load %arg15[%swap3A_167, %swap3A_168] {strides = array<i32>} : memref<40x128xi32, #tpu.memory_space<vmem>>, vector<16xi32>,
      tpu.vector_store %arg15[%swap3A_167, %swap3A_168], %bitcast3A_166 {strides = array<i32>} : memref<40x128xi32, #tpu.memory_space<vmem>>, vector<16xi32>,
      %mul3A_170 = arith.constant 2 : i32
      %mul3A_171 = arith.muli %mul3A_170, %scan3A_46 : i32
      %add3A_172 = arith.constant 1 : i32
      %add3A_173 = arith.addi %mul3A_171, %add3A_172 : i32
      %get3A_174 = arith.index_cast %add3A_173 : i32 to index
      %get3A_175 = arith.constant 32 : index
      %get3A_176 = tpu.vector_load %arg11[%get3A_174, %get3A_175] {strides = array<i32>} : memref<80x64xi32, #tpu.memory_space<vmem>>, vector<16xi32>,
      %mul3A_177 = arith.constant 2 : i32
      %mul3A_178 = arith.muli %mul3A_177, %scan3A_46 : i32
      %add3A_179 = arith.constant 1 : i32
      %add3A_180 = arith.addi %mul3A_178, %add3A_179 : i32
      %get3A_181 = arith.index_cast %add3A_180 : i32 to index
      %get3A_182 = arith.constant 32 : index
      %get3A_183 = tpu.vector_load %arg13[%get3A_181, %get3A_182] {strides = array<i32>} : memref<80x64xi32, #tpu.memory_space<vmem>>, vector<16xi32>,
      %bitcast3A_184 = vector.bitcast %get3A_176 : vector<16xi32> to vector<32xbf16>
      %bitcast3A_185 = vector.bitcast %get3A_183 : vector<16xi32> to vector<32xbf16>
      %add3A_186 = arith.addf %bitcast3A_184, %bitcast3A_185 : vector<32xbf16>
      %bitcast3A_187 = vector.bitcast %add3A_186 : vector<32xbf16> to vector<16xi32>
      %swap3A_188 = arith.index_cast %scan3A_46 : i32 to index
      %swap3A_189 = arith.constant 96 : index
      %swap3A_190 = tpu.vector_load %arg15[%swap3A_188, %swap3A_189] {strides = array<i32>} : memref<40x128xi32, #tpu.memory_space<vmem>>, vector<16xi32>,
      tpu.vector_store %arg15[%swap3A_188, %swap3A_189], %bitcast3A_187 {strides = array<i32>} : memref<40x128xi32, #tpu.memory_space<vmem>>, vector<16xi32>,
      %mul3A_191 = arith.constant 2 : i32
      %mul3A_192 = arith.muli %mul3A_191, %scan3A_46 : i32
      %add3A_193 = arith.constant 1 : i32
      %add3A_194 = arith.addi %mul3A_192, %add3A_193 : i32
      %get3A_195 = arith.index_cast %add3A_194 : i32 to index
      %get3A_196 = arith.constant 48 : index
      %get3A_197 = tpu.vector_load %arg11[%get3A_195, %get3A_196] {strides = array<i32>} : memref<80x64xi32, #tpu.memory_space<vmem>>, vector<16xi32>,
      %mul3A_198 = arith.constant 2 : i32
      %mul3A_199 = arith.muli %mul3A_198, %scan3A_46 : i32
      %add3A_200 = arith.constant 1 : i32
      %add3A_201 = arith.addi %mul3A_199, %add3A_200 : i32
      %get3A_202 = arith.index_cast %add3A_201 : i32 to index
      %get3A_203 = arith.constant 48 : index
      %get3A_204 = tpu.vector_load %arg13[%get3A_202, %get3A_203] {strides = array<i32>} : memref<80x64xi32, #tpu.memory_space<vmem>>, vector<16xi32>,
      %bitcast3A_205 = vector.bitcast %get3A_197 : vector<16xi32> to vector<32xbf16>
      %bitcast3A_206 = vector.bitcast %get3A_204 : vector<16xi32> to vector<32xbf16>
      %add3A_207 = arith.addf %bitcast3A_205, %bitcast3A_206 : vector<32xbf16>
      %bitcast3A_208 = vector.bitcast %add3A_207 : vector<32xbf16> to vector<16xi32>
      %swap3A_209 = arith.index_cast %scan3A_46 : i32 to index
      %swap3A_210 = arith.constant 112 : index
      %swap3A_211 = tpu.vector_load %arg15[%swap3A_209, %swap3A_210] {strides = array<i32>} : memref<40x128xi32, #tpu.memory_space<vmem>>, vector<16xi32>,
      tpu.vector_store %arg15[%swap3A_209, %swap3A_210], %bitcast3A_208 {strides = array<i32>} : memref<40x128xi32, #tpu.memory_space<vmem>>, vector<16xi32>,
    }
    %scan3A_43 = arith.constant 40 : i32
    %add3A_44 = arith.constant 4960 : i32
    %add3A_45 = arith.addi %mul3A_4, %add3A_44 : i32
    "tpu.region"() ({
      %run_scoped3A = tpu.sem_alloc : memref<!tpu.dma_semaphore, #tpu.memory_space<semaphore_mem>>
      %dma_start3A_46 = arith.constant 0 : i32
      %dma_start3A_47 = tpu.memref_slice %arg6[%add3A_45, %dma_start3A_46] : memref<160000x128xi32, #tpu.memory_space<hbm>> -> memref<40x128xi32, #tpu.memory_space<hbm>>
      %dma_start3A_48 = arith.constant 0 : i32
      %dma_start3A_49 = tpu.memref_slice %arg6[%add3A_45, %dma_start3A_48] : memref<160000x128xi32, #tpu.memory_space<hbm>> -> memref<40x128xi32, #tpu.memory_space<hbm>>
      tpu.enqueue_dma source(%arg15 : memref<40x128xi32, #tpu.memory_space<vmem>>) target(%dma_start3A_49 : memref<40x128xi32, #tpu.memory_space<hbm>>) target_semaphore(%run_scoped3A : memref<!tpu.dma_semaphore, #tpu.memory_space<semaphore_mem>>)
      %dma_wait3A_50 = arith.constant 0 : i32
      %dma_wait3A_51 = tpu.memref_slice %arg6[%add3A_45, %dma_wait3A_50] : memref<160000x128xi32, #tpu.memory_space<hbm>> -> memref<40x128xi32, #tpu.memory_space<hbm>>
      %dma_wait3A_52 = arith.constant 0 : i32
      %dma_wait3A_53 = tpu.memref_slice %arg6[%add3A_45, %dma_wait3A_52] : memref<160000x128xi32, #tpu.memory_space<hbm>> -> memref<40x128xi32, #tpu.memory_space<hbm>>
      tpu.wait_dma2 semaphore(%run_scoped3A : memref<!tpu.dma_semaphore, #tpu.memory_space<semaphore_mem>>) src(%arg15 : memref<40x128xi32, #tpu.memory_space<vmem>>) dst(%dma_wait3A_53 : memref<40x128xi32, #tpu.memory_space<hbm>>)
      tpu.yield
    }) : () -> ()
    return
  }
}

#map = affine_map<(d0, d1) -> (0)>
module attributes {stable_mosaic.version = 14 : i64} {
  func.func @_scatter_kernel(%arg0: i32, %arg1: i32, %arg2: memref<30000xf32, #tpu.memory_space<hbm>>, %arg3: memref<320000xi32, #tpu.memory_space<hbm>>, %arg4: memref<320000xi32, #tpu.memory_space<hbm>>, %arg5: memref<320000xf32, #tpu.memory_space<hbm>>, %arg6: memref<960000xf32, #tpu.memory_space<hbm>>, %arg7: memref<10000xf32, #tpu.memory_space<vmem>>, %arg8: memref<10000xf32, #tpu.memory_space<vmem>>, %arg9: memref<10000xf32, #tpu.memory_space<vmem>>, %arg10: memref<10000xf32, #tpu.memory_space<vmem>>, %arg11: memref<10000xf32, #tpu.memory_space<vmem>>, %arg12: memref<10000xf32, #tpu.memory_space<vmem>>, %arg13: memref<2000xi32, #tpu.memory_space<vmem>>, %arg14: memref<2000xi32, #tpu.memory_space<vmem>>, %arg15: memref<2000xf32, #tpu.memory_space<vmem>>) attributes {dimension_semantics = [#tpu.dimension_semantics<core_parallel>, #tpu.dimension_semantics<subcore_parallel>], iteration_bounds = array<i64: 2, 16>, scalar_prefetch = 0 : i64, scratch_operands = 9 : i64, tpu.core_type = #tpu.core_type<sc_vector_subcore>, window_params = [{transform_indices = #map}, {transform_indices = #map}, {transform_indices = #map}, {transform_indices = #map}, {transform_indices = #map}]} {
    %mul3A = arith.constant 2 : i32
    %mul3A_0 = arith.muli %arg1, %mul3A : i32
    %add3A = arith.addi %mul3A_0, %arg0 : i32
    %mul3A_1 = arith.constant 10000 : i32
    %mul3A_2 = arith.muli %add3A, %mul3A_1 : i32
    "tpu.region"() ({
      %run_scoped3A = tpu.sem_alloc : memref<!tpu.dma_semaphore, #tpu.memory_space<semaphore_mem>>
      %dma_start3A = arith.constant 0 : i32
      %dma_start3A_21 = tpu.memref_slice %arg2[%dma_start3A] : memref<30000xf32, #tpu.memory_space<hbm>> -> memref<10000xf32, #tpu.memory_space<hbm>>
      %dma_start3A_22 = arith.constant 0 : i32
      %dma_start3A_23 = tpu.memref_slice %arg2[%dma_start3A_22] : memref<30000xf32, #tpu.memory_space<hbm>> -> memref<10000xf32, #tpu.memory_space<hbm>>
      tpu.enqueue_dma source(%dma_start3A_23 : memref<10000xf32, #tpu.memory_space<hbm>>) target(%arg7 : memref<10000xf32, #tpu.memory_space<vmem>>) target_semaphore(%run_scoped3A : memref<!tpu.dma_semaphore, #tpu.memory_space<semaphore_mem>>)
      %dma_wait3A = arith.constant 0 : i32
      %dma_wait3A_24 = tpu.memref_slice %arg2[%dma_wait3A] : memref<30000xf32, #tpu.memory_space<hbm>> -> memref<10000xf32, #tpu.memory_space<hbm>>
      %dma_wait3A_25 = arith.constant 0 : i32
      %dma_wait3A_26 = tpu.memref_slice %arg2[%dma_wait3A_25] : memref<30000xf32, #tpu.memory_space<hbm>> -> memref<10000xf32, #tpu.memory_space<hbm>>
      tpu.wait_dma2 semaphore(%run_scoped3A : memref<!tpu.dma_semaphore, #tpu.memory_space<semaphore_mem>>) src(%dma_wait3A_26 : memref<10000xf32, #tpu.memory_space<hbm>>) dst(%arg7 : memref<10000xf32, #tpu.memory_space<vmem>>)
      tpu.yield
    }) : () -> ()
    "tpu.region"() ({
      %run_scoped3A = tpu.sem_alloc : memref<!tpu.dma_semaphore, #tpu.memory_space<semaphore_mem>>
      %dma_start3A = arith.constant 10000 : i32
      %dma_start3A_21 = tpu.memref_slice %arg2[%dma_start3A] : memref<30000xf32, #tpu.memory_space<hbm>> -> memref<10000xf32, #tpu.memory_space<hbm>>
      %dma_start3A_22 = arith.constant 10000 : i32
      %dma_start3A_23 = tpu.memref_slice %arg2[%dma_start3A_22] : memref<30000xf32, #tpu.memory_space<hbm>> -> memref<10000xf32, #tpu.memory_space<hbm>>
      tpu.enqueue_dma source(%dma_start3A_23 : memref<10000xf32, #tpu.memory_space<hbm>>) target(%arg8 : memref<10000xf32, #tpu.memory_space<vmem>>) target_semaphore(%run_scoped3A : memref<!tpu.dma_semaphore, #tpu.memory_space<semaphore_mem>>)
      %dma_wait3A = arith.constant 10000 : i32
      %dma_wait3A_24 = tpu.memref_slice %arg2[%dma_wait3A] : memref<30000xf32, #tpu.memory_space<hbm>> -> memref<10000xf32, #tpu.memory_space<hbm>>
      %dma_wait3A_25 = arith.constant 10000 : i32
      %dma_wait3A_26 = tpu.memref_slice %arg2[%dma_wait3A_25] : memref<30000xf32, #tpu.memory_space<hbm>> -> memref<10000xf32, #tpu.memory_space<hbm>>
      tpu.wait_dma2 semaphore(%run_scoped3A : memref<!tpu.dma_semaphore, #tpu.memory_space<semaphore_mem>>) src(%dma_wait3A_26 : memref<10000xf32, #tpu.memory_space<hbm>>) dst(%arg8 : memref<10000xf32, #tpu.memory_space<vmem>>)
      tpu.yield
    }) : () -> ()
    "tpu.region"() ({
      %run_scoped3A = tpu.sem_alloc : memref<!tpu.dma_semaphore, #tpu.memory_space<semaphore_mem>>
      %dma_start3A = arith.constant 20000 : i32
      %dma_start3A_21 = tpu.memref_slice %arg2[%dma_start3A] : memref<30000xf32, #tpu.memory_space<hbm>> -> memref<10000xf32, #tpu.memory_space<hbm>>
      %dma_start3A_22 = arith.constant 20000 : i32
      %dma_start3A_23 = tpu.memref_slice %arg2[%dma_start3A_22] : memref<30000xf32, #tpu.memory_space<hbm>> -> memref<10000xf32, #tpu.memory_space<hbm>>
      tpu.enqueue_dma source(%dma_start3A_23 : memref<10000xf32, #tpu.memory_space<hbm>>) target(%arg9 : memref<10000xf32, #tpu.memory_space<vmem>>) target_semaphore(%run_scoped3A : memref<!tpu.dma_semaphore, #tpu.memory_space<semaphore_mem>>)
      %dma_wait3A = arith.constant 20000 : i32
      %dma_wait3A_24 = tpu.memref_slice %arg2[%dma_wait3A] : memref<30000xf32, #tpu.memory_space<hbm>> -> memref<10000xf32, #tpu.memory_space<hbm>>
      %dma_wait3A_25 = arith.constant 20000 : i32
      %dma_wait3A_26 = tpu.memref_slice %arg2[%dma_wait3A_25] : memref<30000xf32, #tpu.memory_space<hbm>> -> memref<10000xf32, #tpu.memory_space<hbm>>
      tpu.wait_dma2 semaphore(%run_scoped3A : memref<!tpu.dma_semaphore, #tpu.memory_space<semaphore_mem>>) src(%dma_wait3A_26 : memref<10000xf32, #tpu.memory_space<hbm>>) dst(%arg9 : memref<10000xf32, #tpu.memory_space<vmem>>)
      tpu.yield
    }) : () -> ()
    %broadcast_in_dim3A = arith.constant 0.000000e+00 : f32
    %broadcast_in_dim3A_3 = vector.broadcast %broadcast_in_dim3A : f32 to vector<16xf32>
    %scan3A = arith.constant 0 : i32
    %scan3A_4 = arith.constant 0 : i32
    %scan3A_5 = arith.constant 625 : i32
    %scan3A_6 = arith.addi %scan3A_4, %scan3A_5 : i32
    %scan3A_7 = arith.constant 1 : i32
    scf.for %scan3A_21 = %scan3A_4 to %scan3A_6 step %scan3A_7  : i32 {
      %mul3A_22 = arith.constant 16 : i32
      %mul3A_23 = arith.muli %scan3A_21, %mul3A_22 : i32
      %swap3A = arith.index_cast %mul3A_23 : i32 to index
      %swap3A_24 = tpu.vector_load %arg10[%swap3A] {strides = array<i32>} : memref<10000xf32, #tpu.memory_space<vmem>>, vector<16xf32>,
      tpu.vector_store %arg10[%swap3A], %broadcast_in_dim3A_3 {strides = array<i32>} : memref<10000xf32, #tpu.memory_space<vmem>>, vector<16xf32>,
      %mul3A_25 = arith.constant 16 : i32
      %mul3A_26 = arith.muli %scan3A_21, %mul3A_25 : i32
      %swap3A_27 = arith.index_cast %mul3A_26 : i32 to index
      %swap3A_28 = tpu.vector_load %arg11[%swap3A_27] {strides = array<i32>} : memref<10000xf32, #tpu.memory_space<vmem>>, vector<16xf32>,
      tpu.vector_store %arg11[%swap3A_27], %broadcast_in_dim3A_3 {strides = array<i32>} : memref<10000xf32, #tpu.memory_space<vmem>>, vector<16xf32>,
      %mul3A_29 = arith.constant 16 : i32
      %mul3A_30 = arith.muli %scan3A_21, %mul3A_29 : i32
      %swap3A_31 = arith.index_cast %mul3A_30 : i32 to index
      %swap3A_32 = tpu.vector_load %arg12[%swap3A_31] {strides = array<i32>} : memref<10000xf32, #tpu.memory_space<vmem>>, vector<16xf32>,
      tpu.vector_store %arg12[%swap3A_31], %broadcast_in_dim3A_3 {strides = array<i32>} : memref<10000xf32, #tpu.memory_space<vmem>>, vector<16xf32>,
    }
    %scan3A_8 = arith.constant 625 : i32
    %scan3A_9 = arith.constant 0 : i32
    %scan3A_10 = arith.constant 0 : i32
    %scan3A_11 = arith.constant 5 : i32
    %scan3A_12 = arith.addi %scan3A_10, %scan3A_11 : i32
    %scan3A_13 = arith.constant 1 : i32
    scf.for %scan3A_21 = %scan3A_10 to %scan3A_12 step %scan3A_13  : i32 {
      %mul3A_22 = arith.constant 2000 : i32
      %mul3A_23 = arith.muli %scan3A_21, %mul3A_22 : i32
      %add3A_24 = arith.addi %mul3A_2, %mul3A_23 : i32
      "tpu.region"() ({
        %run_scoped3A = tpu.sem_alloc : memref<!tpu.dma_semaphore, #tpu.memory_space<semaphore_mem>>
        %dma_start3A = tpu.memref_slice %arg3[%add3A_24] : memref<320000xi32, #tpu.memory_space<hbm>> -> memref<2000xi32, #tpu.memory_space<hbm>>
        %dma_start3A_31 = tpu.memref_slice %arg3[%add3A_24] : memref<320000xi32, #tpu.memory_space<hbm>> -> memref<2000xi32, #tpu.memory_space<hbm>>
        tpu.enqueue_dma source(%dma_start3A_31 : memref<2000xi32, #tpu.memory_space<hbm>>) target(%arg13 : memref<2000xi32, #tpu.memory_space<vmem>>) target_semaphore(%run_scoped3A : memref<!tpu.dma_semaphore, #tpu.memory_space<semaphore_mem>>)
        %dma_wait3A = tpu.memref_slice %arg3[%add3A_24] : memref<320000xi32, #tpu.memory_space<hbm>> -> memref<2000xi32, #tpu.memory_space<hbm>>
        %dma_wait3A_32 = tpu.memref_slice %arg3[%add3A_24] : memref<320000xi32, #tpu.memory_space<hbm>> -> memref<2000xi32, #tpu.memory_space<hbm>>
        tpu.wait_dma2 semaphore(%run_scoped3A : memref<!tpu.dma_semaphore, #tpu.memory_space<semaphore_mem>>) src(%dma_wait3A_32 : memref<2000xi32, #tpu.memory_space<hbm>>) dst(%arg13 : memref<2000xi32, #tpu.memory_space<vmem>>)
        tpu.yield
      }) : () -> ()
      "tpu.region"() ({
        %run_scoped3A = tpu.sem_alloc : memref<!tpu.dma_semaphore, #tpu.memory_space<semaphore_mem>>
        %dma_start3A = tpu.memref_slice %arg4[%add3A_24] : memref<320000xi32, #tpu.memory_space<hbm>> -> memref<2000xi32, #tpu.memory_space<hbm>>
        %dma_start3A_31 = tpu.memref_slice %arg4[%add3A_24] : memref<320000xi32, #tpu.memory_space<hbm>> -> memref<2000xi32, #tpu.memory_space<hbm>>
        tpu.enqueue_dma source(%dma_start3A_31 : memref<2000xi32, #tpu.memory_space<hbm>>) target(%arg14 : memref<2000xi32, #tpu.memory_space<vmem>>) target_semaphore(%run_scoped3A : memref<!tpu.dma_semaphore, #tpu.memory_space<semaphore_mem>>)
        %dma_wait3A = tpu.memref_slice %arg4[%add3A_24] : memref<320000xi32, #tpu.memory_space<hbm>> -> memref<2000xi32, #tpu.memory_space<hbm>>
        %dma_wait3A_32 = tpu.memref_slice %arg4[%add3A_24] : memref<320000xi32, #tpu.memory_space<hbm>> -> memref<2000xi32, #tpu.memory_space<hbm>>
        tpu.wait_dma2 semaphore(%run_scoped3A : memref<!tpu.dma_semaphore, #tpu.memory_space<semaphore_mem>>) src(%dma_wait3A_32 : memref<2000xi32, #tpu.memory_space<hbm>>) dst(%arg14 : memref<2000xi32, #tpu.memory_space<vmem>>)
        tpu.yield
      }) : () -> ()
      "tpu.region"() ({
        %run_scoped3A = tpu.sem_alloc : memref<!tpu.dma_semaphore, #tpu.memory_space<semaphore_mem>>
        %dma_start3A = tpu.memref_slice %arg5[%add3A_24] : memref<320000xf32, #tpu.memory_space<hbm>> -> memref<2000xf32, #tpu.memory_space<hbm>>
        %dma_start3A_31 = tpu.memref_slice %arg5[%add3A_24] : memref<320000xf32, #tpu.memory_space<hbm>> -> memref<2000xf32, #tpu.memory_space<hbm>>
        tpu.enqueue_dma source(%dma_start3A_31 : memref<2000xf32, #tpu.memory_space<hbm>>) target(%arg15 : memref<2000xf32, #tpu.memory_space<vmem>>) target_semaphore(%run_scoped3A : memref<!tpu.dma_semaphore, #tpu.memory_space<semaphore_mem>>)
        %dma_wait3A = tpu.memref_slice %arg5[%add3A_24] : memref<320000xf32, #tpu.memory_space<hbm>> -> memref<2000xf32, #tpu.memory_space<hbm>>
        %dma_wait3A_32 = tpu.memref_slice %arg5[%add3A_24] : memref<320000xf32, #tpu.memory_space<hbm>> -> memref<2000xf32, #tpu.memory_space<hbm>>
        tpu.wait_dma2 semaphore(%run_scoped3A : memref<!tpu.dma_semaphore, #tpu.memory_space<semaphore_mem>>) src(%dma_wait3A_32 : memref<2000xf32, #tpu.memory_space<hbm>>) dst(%arg15 : memref<2000xf32, #tpu.memory_space<vmem>>)
        tpu.yield
      }) : () -> ()
      %scan3A_25 = arith.constant 0 : i32
      %scan3A_26 = arith.constant 0 : i32
      %scan3A_27 = arith.constant 125 : i32
      %scan3A_28 = arith.addi %scan3A_26, %scan3A_27 : i32
      %scan3A_29 = arith.constant 1 : i32
      scf.for %scan3A_31 = %scan3A_26 to %scan3A_28 step %scan3A_29  : i32 {
        %mul3A_32 = arith.constant 16 : i32
        %mul3A_33 = arith.muli %scan3A_31, %mul3A_32 : i32
        %get3A = arith.index_cast %mul3A_33 : i32 to index
        %get3A_34 = tpu.vector_load %arg13[%get3A] {strides = array<i32>} : memref<2000xi32, #tpu.memory_space<vmem>>, vector<16xi32>,
        %mul3A_35 = arith.constant 16 : i32
        %mul3A_36 = arith.muli %scan3A_31, %mul3A_35 : i32
        %get3A_37 = arith.index_cast %mul3A_36 : i32 to index
        %get3A_38 = tpu.vector_load %arg14[%get3A_37] {strides = array<i32>} : memref<2000xi32, #tpu.memory_space<vmem>>, vector<16xi32>,
        %gather3A = tpu.vector_load_idx %arg7[%get3A_34] : memref<10000xf32, #tpu.memory_space<vmem>>[vector<16xi32>], vector<16xf32>,
        %gather3A_39 = tpu.vector_load_idx %arg7[%get3A_38] : memref<10000xf32, #tpu.memory_space<vmem>>[vector<16xi32>], vector<16xf32>,
        %gather3A_40 = tpu.vector_load_idx %arg8[%get3A_34] : memref<10000xf32, #tpu.memory_space<vmem>>[vector<16xi32>], vector<16xf32>,
        %gather3A_41 = tpu.vector_load_idx %arg8[%get3A_38] : memref<10000xf32, #tpu.memory_space<vmem>>[vector<16xi32>], vector<16xf32>,
        %gather3A_42 = tpu.vector_load_idx %arg9[%get3A_34] : memref<10000xf32, #tpu.memory_space<vmem>>[vector<16xi32>], vector<16xf32>,
        %gather3A_43 = tpu.vector_load_idx %arg9[%get3A_38] : memref<10000xf32, #tpu.memory_space<vmem>>[vector<16xi32>], vector<16xf32>,
        %sub3A = arith.subf %gather3A, %gather3A_39 : vector<16xf32>
        %sub3A_44 = arith.subf %gather3A_40, %gather3A_41 : vector<16xf32>
        %sub3A_45 = arith.subf %gather3A_42, %gather3A_43 : vector<16xf32>
        %mul3A_46 = arith.mulf %sub3A, %sub3A : vector<16xf32>
        %mul3A_47 = arith.mulf %sub3A_44, %sub3A_44 : vector<16xf32>
        %add3A_48 = arith.addf %mul3A_46, %mul3A_47 : vector<16xf32>
        %mul3A_49 = arith.mulf %sub3A_45, %sub3A_45 : vector<16xf32>
        %add3A_50 = arith.addf %add3A_48, %mul3A_49 : vector<16xf32>
        %max3A = arith.constant 1.000000e-16 : f32
        %max3A_51 = vector.broadcast %max3A : f32 to vector<16xf32>
        %max3A_52 = arith.maximumf %add3A_50, %max3A_51 : vector<16xf32>
        %bitcast3A = vector.bitcast %max3A_52 : vector<16xf32> to vector<16xi32>
        %shift_right_logical3A = arith.constant 1 : i32
        %shift_right_logical3A_53 = vector.broadcast %shift_right_logical3A : i32 to vector<16xi32>
        %shift_right_logical3A_54 = arith.shrui %bitcast3A, %shift_right_logical3A_53 : vector<16xi32>
        %sub3A_55 = arith.constant 1597463007 : i32
        %sub3A_56 = vector.broadcast %sub3A_55 : i32 to vector<16xi32>
        %sub3A_57 = arith.subi %sub3A_56, %shift_right_logical3A_54 : vector<16xi32>
        %bitcast3A_58 = vector.bitcast %sub3A_57 : vector<16xi32> to vector<16xf32>
        %mul3A_59 = arith.constant 5.000000e-01 : f32
        %mul3A_60 = vector.broadcast %mul3A_59 : f32 to vector<16xf32>
        %mul3A_61 = arith.mulf %mul3A_60, %max3A_52 : vector<16xf32>
        %mul3A_62 = arith.mulf %mul3A_61, %bitcast3A_58 : vector<16xf32>
        %mul3A_63 = arith.mulf %mul3A_62, %bitcast3A_58 : vector<16xf32>
        %sub3A_64 = arith.constant 1.500000e+00 : f32
        %sub3A_65 = vector.broadcast %sub3A_64 : f32 to vector<16xf32>
        %sub3A_66 = arith.subf %sub3A_65, %mul3A_63 : vector<16xf32>
        %mul3A_67 = arith.mulf %bitcast3A_58, %sub3A_66 : vector<16xf32>
        %mul3A_68 = arith.constant 5.000000e-01 : f32
        %mul3A_69 = vector.broadcast %mul3A_68 : f32 to vector<16xf32>
        %mul3A_70 = arith.mulf %mul3A_69, %max3A_52 : vector<16xf32>
        %mul3A_71 = arith.mulf %mul3A_70, %mul3A_67 : vector<16xf32>
        %mul3A_72 = arith.mulf %mul3A_71, %mul3A_67 : vector<16xf32>
        %sub3A_73 = arith.constant 1.500000e+00 : f32
        %sub3A_74 = vector.broadcast %sub3A_73 : f32 to vector<16xf32>
        %sub3A_75 = arith.subf %sub3A_74, %mul3A_72 : vector<16xf32>
        %mul3A_76 = arith.mulf %mul3A_67, %sub3A_75 : vector<16xf32>
        %mul3A_77 = arith.constant 5.000000e-01 : f32
        %mul3A_78 = vector.broadcast %mul3A_77 : f32 to vector<16xf32>
        %mul3A_79 = arith.mulf %mul3A_78, %max3A_52 : vector<16xf32>
        %mul3A_80 = arith.mulf %mul3A_79, %mul3A_76 : vector<16xf32>
        %mul3A_81 = arith.mulf %mul3A_80, %mul3A_76 : vector<16xf32>
        %sub3A_82 = arith.constant 1.500000e+00 : f32
        %sub3A_83 = vector.broadcast %sub3A_82 : f32 to vector<16xf32>
        %sub3A_84 = arith.subf %sub3A_83, %mul3A_81 : vector<16xf32>
        %mul3A_85 = arith.mulf %mul3A_76, %sub3A_84 : vector<16xf32>
        %mul3A_86 = arith.constant 16 : i32
        %mul3A_87 = arith.muli %scan3A_31, %mul3A_86 : i32
        %get3A_88 = arith.index_cast %mul3A_87 : i32 to index
        %get3A_89 = tpu.vector_load %arg15[%get3A_88] {strides = array<i32>} : memref<2000xf32, #tpu.memory_space<vmem>>, vector<16xf32>,
        %mul3A_90 = arith.mulf %get3A_89, %mul3A_85 : vector<16xf32>
        %mul3A_91 = arith.mulf %mul3A_90, %sub3A : vector<16xf32>
        tpu.vector_store_idx %arg10[%get3A_38], %mul3A_91 {add = true} : memref<10000xf32, #tpu.memory_space<vmem>>[vector<16xi32>], vector<16xf32>,
        %mul3A_92 = arith.mulf %mul3A_90, %sub3A_44 : vector<16xf32>
        tpu.vector_store_idx %arg11[%get3A_38], %mul3A_92 {add = true} : memref<10000xf32, #tpu.memory_space<vmem>>[vector<16xi32>], vector<16xf32>,
        %mul3A_93 = arith.mulf %mul3A_90, %sub3A_45 : vector<16xf32>
        tpu.vector_store_idx %arg12[%get3A_38], %mul3A_93 {add = true} : memref<10000xf32, #tpu.memory_space<vmem>>[vector<16xi32>], vector<16xf32>,
      }
      %scan3A_30 = arith.constant 125 : i32
    }
    %scan3A_14 = arith.constant 5 : i32
    %mul3A_15 = arith.constant 30000 : i32
    %mul3A_16 = arith.muli %add3A, %mul3A_15 : i32
    "tpu.region"() ({
      %run_scoped3A = tpu.sem_alloc : memref<!tpu.dma_semaphore, #tpu.memory_space<semaphore_mem>>
      %dma_start3A = tpu.memref_slice %arg6[%mul3A_16] : memref<960000xf32, #tpu.memory_space<hbm>> -> memref<10000xf32, #tpu.memory_space<hbm>>
      %dma_start3A_21 = tpu.memref_slice %arg6[%mul3A_16] : memref<960000xf32, #tpu.memory_space<hbm>> -> memref<10000xf32, #tpu.memory_space<hbm>>
      tpu.enqueue_dma source(%arg10 : memref<10000xf32, #tpu.memory_space<vmem>>) target(%dma_start3A_21 : memref<10000xf32, #tpu.memory_space<hbm>>) target_semaphore(%run_scoped3A : memref<!tpu.dma_semaphore, #tpu.memory_space<semaphore_mem>>)
      %dma_wait3A = tpu.memref_slice %arg6[%mul3A_16] : memref<960000xf32, #tpu.memory_space<hbm>> -> memref<10000xf32, #tpu.memory_space<hbm>>
      %dma_wait3A_22 = tpu.memref_slice %arg6[%mul3A_16] : memref<960000xf32, #tpu.memory_space<hbm>> -> memref<10000xf32, #tpu.memory_space<hbm>>
      tpu.wait_dma2 semaphore(%run_scoped3A : memref<!tpu.dma_semaphore, #tpu.memory_space<semaphore_mem>>) src(%arg10 : memref<10000xf32, #tpu.memory_space<vmem>>) dst(%dma_wait3A_22 : memref<10000xf32, #tpu.memory_space<hbm>>)
      tpu.yield
    }) : () -> ()
    %add3A_17 = arith.constant 10000 : i32
    %add3A_18 = arith.addi %mul3A_16, %add3A_17 : i32
    "tpu.region"() ({
      %run_scoped3A = tpu.sem_alloc : memref<!tpu.dma_semaphore, #tpu.memory_space<semaphore_mem>>
      %dma_start3A = tpu.memref_slice %arg6[%add3A_18] : memref<960000xf32, #tpu.memory_space<hbm>> -> memref<10000xf32, #tpu.memory_space<hbm>>
      %dma_start3A_21 = tpu.memref_slice %arg6[%add3A_18] : memref<960000xf32, #tpu.memory_space<hbm>> -> memref<10000xf32, #tpu.memory_space<hbm>>
      tpu.enqueue_dma source(%arg11 : memref<10000xf32, #tpu.memory_space<vmem>>) target(%dma_start3A_21 : memref<10000xf32, #tpu.memory_space<hbm>>) target_semaphore(%run_scoped3A : memref<!tpu.dma_semaphore, #tpu.memory_space<semaphore_mem>>)
      %dma_wait3A = tpu.memref_slice %arg6[%add3A_18] : memref<960000xf32, #tpu.memory_space<hbm>> -> memref<10000xf32, #tpu.memory_space<hbm>>
      %dma_wait3A_22 = tpu.memref_slice %arg6[%add3A_18] : memref<960000xf32, #tpu.memory_space<hbm>> -> memref<10000xf32, #tpu.memory_space<hbm>>
      tpu.wait_dma2 semaphore(%run_scoped3A : memref<!tpu.dma_semaphore, #tpu.memory_space<semaphore_mem>>) src(%arg11 : memref<10000xf32, #tpu.memory_space<vmem>>) dst(%dma_wait3A_22 : memref<10000xf32, #tpu.memory_space<hbm>>)
      tpu.yield
    }) : () -> ()
    %add3A_19 = arith.constant 20000 : i32
    %add3A_20 = arith.addi %mul3A_16, %add3A_19 : i32
    "tpu.region"() ({
      %run_scoped3A = tpu.sem_alloc : memref<!tpu.dma_semaphore, #tpu.memory_space<semaphore_mem>>
      %dma_start3A = tpu.memref_slice %arg6[%add3A_20] : memref<960000xf32, #tpu.memory_space<hbm>> -> memref<10000xf32, #tpu.memory_space<hbm>>
      %dma_start3A_21 = tpu.memref_slice %arg6[%add3A_20] : memref<960000xf32, #tpu.memory_space<hbm>> -> memref<10000xf32, #tpu.memory_space<hbm>>
      tpu.enqueue_dma source(%arg12 : memref<10000xf32, #tpu.memory_space<vmem>>) target(%dma_start3A_21 : memref<10000xf32, #tpu.memory_space<hbm>>) target_semaphore(%run_scoped3A : memref<!tpu.dma_semaphore, #tpu.memory_space<semaphore_mem>>)
      %dma_wait3A = tpu.memref_slice %arg6[%add3A_20] : memref<960000xf32, #tpu.memory_space<hbm>> -> memref<10000xf32, #tpu.memory_space<hbm>>
      %dma_wait3A_22 = tpu.memref_slice %arg6[%add3A_20] : memref<960000xf32, #tpu.memory_space<hbm>> -> memref<10000xf32, #tpu.memory_space<hbm>>
      tpu.wait_dma2 semaphore(%run_scoped3A : memref<!tpu.dma_semaphore, #tpu.memory_space<semaphore_mem>>) src(%arg12 : memref<10000xf32, #tpu.memory_space<vmem>>) dst(%dma_wait3A_22 : memref<10000xf32, #tpu.memory_space<hbm>>)
      tpu.yield
    }) : () -> ()
    return
  }
}

module attributes {stable_mosaic.version = 14 : i64} {
  func.func @_precompute_body(%arg0: memref<10000x128xf32, #tpu.memory_space<vmem>>, %arg1: memref<288x128xf32, #tpu.memory_space<vmem>>, %arg2: memref<1x128xf32, #tpu.memory_space<vmem>>, %arg3: memref<1x32xf32, #tpu.memory_space<vmem>>, %arg4: memref<1x1xf32, #tpu.memory_space<vmem>>, %arg5: memref<10000x64xi32, #tpu.memory_space<vmem>>, %arg6: memref<10000x64xi32, #tpu.memory_space<vmem>>, %arg7: memref<1x128xf32, #tpu.memory_space<vmem>>) attributes {dimension_semantics = [], scalar_prefetch = 0 : i64, scratch_operands = 0 : i64, tpu.core_type = #tpu.core_type<tc>} {
    %get3A = arith.constant 0 : index
    %get3A_0 = arith.constant 0 : index
    %get3A_1 = vector.load %arg0[%get3A, %get3A_0] : memref<10000x128xf32, #tpu.memory_space<vmem>>, vector<10000x128xf32>
    %get3A_2 = arith.constant 0 : index
    %get3A_3 = arith.constant 0 : index
    %get3A_4 = vector.load %arg1[%get3A_2, %get3A_3] : memref<288x128xf32, #tpu.memory_space<vmem>>, vector<128x128xf32>
    %get3A_5 = arith.constant 127 : index
    %get3A_6 = arith.constant 0 : index
    %get3A_7 = vector.load %arg1[%get3A_5, %get3A_6] : memref<288x128xf32, #tpu.memory_space<vmem>>, vector<1x128xf32>
    %get3A_8 = arith.constant 128 : index
    %get3A_9 = arith.constant 0 : index
    %get3A_10 = vector.load %arg1[%get3A_8, %get3A_9] : memref<288x128xf32, #tpu.memory_space<vmem>>, vector<128x128xf32>
    %get3A_11 = arith.constant 255 : index
    %get3A_12 = arith.constant 0 : index
    %get3A_13 = vector.load %arg1[%get3A_11, %get3A_12] : memref<288x128xf32, #tpu.memory_space<vmem>>, vector<1x128xf32>
    %get3A_14 = arith.constant 256 : index
    %get3A_15 = arith.constant 0 : index
    %get3A_16 = vector.load %arg1[%get3A_14, %get3A_15] : memref<288x128xf32, #tpu.memory_space<vmem>>, vector<32x128xf32>
    %dot_general3A = arith.constant dense<0.000000e+00> : vector<10000x128xf32>
    %dot_general3A_17 = tpu.matmul %get3A_1, %get3A_4, %dot_general3A {dimension_numbers = #tpu.dot_dimension_numbers<[1], [0], [0], [1], [0, 0, 1, 1], [], []>, precision = #tpu.contract_precision<fp32>, transpose_lhs_hint = false} : vector<10000x128xf32>, vector<128x128xf32>, vector<10000x128xf32> -> vector<10000x128xf32>
    %dot_general3A_18 = arith.constant dense<0.000000e+00> : vector<10000x128xf32>
    %dot_general3A_19 = tpu.matmul %get3A_1, %get3A_10, %dot_general3A_18 {dimension_numbers = #tpu.dot_dimension_numbers<[1], [0], [0], [1], [0, 0, 1, 1], [], []>, precision = #tpu.contract_precision<fp32>, transpose_lhs_hint = false} : vector<10000x128xf32>, vector<128x128xf32>, vector<10000x128xf32> -> vector<10000x128xf32>
    %bitcast_convert_type3A = tpu.bitcast %dot_general3A_17 : vector<10000x128xf32> -> vector<10000x128xi32>
    %add3A = arith.constant 32767 : i32
    %add3A_20 = vector.broadcast %add3A : i32 to vector<10000x128xi32>
    %add3A_21 = arith.addi %bitcast_convert_type3A, %add3A_20 : vector<10000x128xi32>
    %shift_right_arithmetic3A = arith.constant 16 : i32
    %shift_right_arithmetic3A_22 = vector.broadcast %shift_right_arithmetic3A : i32 to vector<10000x128xi32>
    %shift_right_arithmetic3A_23 = arith.shrsi %bitcast_convert_type3A, %shift_right_arithmetic3A_22 : vector<10000x128xi32>
    %and3A = arith.constant 1 : i32
    %and3A_24 = vector.broadcast %and3A : i32 to vector<10000x128xi32>
    %and3A_25 = arith.andi %shift_right_arithmetic3A_23, %and3A_24 : vector<10000x128xi32>
    %add3A_26 = arith.addi %add3A_21, %and3A_25 : vector<10000x128xi32>
    %shift_right_arithmetic3A_27 = arith.constant 16 : i32
    %shift_right_arithmetic3A_28 = vector.broadcast %shift_right_arithmetic3A_27 : i32 to vector<10000x128xi32>
    %shift_right_arithmetic3A_29 = arith.shrsi %add3A_26, %shift_right_arithmetic3A_28 : vector<10000x128xi32>
    %slice3A = vector.extract_strided_slice %shift_right_arithmetic3A_29 {offsets = [0, 0], sizes = [10000, 64], strides = [1, 1]} : vector<10000x128xi32> to vector<10000x64xi32>
    %and3A_30 = arith.constant 65535 : i32
    %and3A_31 = vector.broadcast %and3A_30 : i32 to vector<10000x64xi32>
    %and3A_32 = arith.andi %slice3A, %and3A_31 : vector<10000x64xi32>
    %slice3A_33 = vector.extract_strided_slice %shift_right_arithmetic3A_29 {offsets = [0, 64], sizes = [10000, 64], strides = [1, 1]} : vector<10000x128xi32> to vector<10000x64xi32>
    %shift_left3A = arith.constant 16 : i32
    %shift_left3A_34 = vector.broadcast %shift_left3A : i32 to vector<10000x64xi32>
    %shift_left3A_35 = arith.shli %slice3A_33, %shift_left3A_34 : vector<10000x64xi32>
    %or3A = arith.ori %shift_left3A_35, %and3A_32 : vector<10000x64xi32>
    %swap3A = arith.constant 0 : index
    %swap3A_36 = arith.constant 0 : index
    %swap3A_37 = vector.load %arg5[%swap3A, %swap3A_36] : memref<10000x64xi32, #tpu.memory_space<vmem>>, vector<10000x64xi32>
    tpu.vector_store %arg5[%swap3A, %swap3A_36], %or3A {strides = array<i32>} : memref<10000x64xi32, #tpu.memory_space<vmem>>, vector<10000x64xi32>,
    %bitcast_convert_type3A_38 = tpu.bitcast %dot_general3A_19 : vector<10000x128xf32> -> vector<10000x128xi32>
    %add3A_39 = arith.constant 32767 : i32
    %add3A_40 = vector.broadcast %add3A_39 : i32 to vector<10000x128xi32>
    %add3A_41 = arith.addi %bitcast_convert_type3A_38, %add3A_40 : vector<10000x128xi32>
    %shift_right_arithmetic3A_42 = arith.constant 16 : i32
    %shift_right_arithmetic3A_43 = vector.broadcast %shift_right_arithmetic3A_42 : i32 to vector<10000x128xi32>
    %shift_right_arithmetic3A_44 = arith.shrsi %bitcast_convert_type3A_38, %shift_right_arithmetic3A_43 : vector<10000x128xi32>
    %and3A_45 = arith.constant 1 : i32
    %and3A_46 = vector.broadcast %and3A_45 : i32 to vector<10000x128xi32>
    %and3A_47 = arith.andi %shift_right_arithmetic3A_44, %and3A_46 : vector<10000x128xi32>
    %add3A_48 = arith.addi %add3A_41, %and3A_47 : vector<10000x128xi32>
    %shift_right_arithmetic3A_49 = arith.constant 16 : i32
    %shift_right_arithmetic3A_50 = vector.broadcast %shift_right_arithmetic3A_49 : i32 to vector<10000x128xi32>
    %shift_right_arithmetic3A_51 = arith.shrsi %add3A_48, %shift_right_arithmetic3A_50 : vector<10000x128xi32>
    %slice3A_52 = vector.extract_strided_slice %shift_right_arithmetic3A_51 {offsets = [0, 0], sizes = [10000, 64], strides = [1, 1]} : vector<10000x128xi32> to vector<10000x64xi32>
    %and3A_53 = arith.constant 65535 : i32
    %and3A_54 = vector.broadcast %and3A_53 : i32 to vector<10000x64xi32>
    %and3A_55 = arith.andi %slice3A_52, %and3A_54 : vector<10000x64xi32>
    %slice3A_56 = vector.extract_strided_slice %shift_right_arithmetic3A_51 {offsets = [0, 64], sizes = [10000, 64], strides = [1, 1]} : vector<10000x128xi32> to vector<10000x64xi32>
    %shift_left3A_57 = arith.constant 16 : i32
    %shift_left3A_58 = vector.broadcast %shift_left3A_57 : i32 to vector<10000x64xi32>
    %shift_left3A_59 = arith.shli %slice3A_56, %shift_left3A_58 : vector<10000x64xi32>
    %or3A_60 = arith.ori %shift_left3A_59, %and3A_55 : vector<10000x64xi32>
    %swap3A_61 = arith.constant 0 : index
    %swap3A_62 = arith.constant 0 : index
    %swap3A_63 = vector.load %arg6[%swap3A_61, %swap3A_62] : memref<10000x64xi32, #tpu.memory_space<vmem>>, vector<10000x64xi32>
    tpu.vector_store %arg6[%swap3A_61, %swap3A_62], %or3A_60 {strides = array<i32>} : memref<10000x64xi32, #tpu.memory_space<vmem>>, vector<10000x64xi32>,
    %get3A_64 = arith.constant 0 : index
    %get3A_65 = arith.constant 0 : index
    %get3A_66 = vector.load %arg2[%get3A_64, %get3A_65] : memref<1x128xf32, #tpu.memory_space<vmem>>, vector<1x128xf32>
    %get3A_67 = arith.constant 0 : index
    %get3A_68 = arith.constant 0 : index
    %get3A_69 = vector.load %arg3[%get3A_67, %get3A_68] : memref<1x32xf32, #tpu.memory_space<vmem>>, vector<1x32xf32>
    %dot_general3A_70 = arith.constant dense<0.000000e+00> : vector<1x128xf32>
    %dot_general3A_71 = tpu.matmul %get3A_69, %get3A_16, %dot_general3A_70 {dimension_numbers = #tpu.dot_dimension_numbers<[1], [0], [0], [1], [0, 0, 1, 1], [], []>, precision = #tpu.contract_precision<fp32>, transpose_lhs_hint = false} : vector<1x32xf32>, vector<32x128xf32>, vector<1x128xf32> -> vector<1x128xf32>
    %add3A_72 = arith.addf %get3A_66, %dot_general3A_71 : vector<1x128xf32>
    %get3A_73 = arith.constant 0 : index
    %get3A_74 = arith.constant 0 : index
    %get3A_75 = vector.load %arg4[%get3A_73, %get3A_74] : memref<1x1xf32, #tpu.memory_space<vmem>>, vector<1x1xf32>
    %add3A_76 = arith.addf %get3A_7, %get3A_13 : vector<1x128xf32>
    %mul3A = vector.broadcast %get3A_75 : vector<1x1xf32> to vector<1x128xf32>
    %mul3A_77 = arith.mulf %mul3A, %add3A_76 : vector<1x128xf32>
    %add3A_78 = arith.addf %add3A_72, %mul3A_77 : vector<1x128xf32>
    %swap3A_79 = arith.constant 0 : index
    %swap3A_80 = arith.constant 0 : index
    %swap3A_81 = vector.load %arg7[%swap3A_79, %swap3A_80] : memref<1x128xf32, #tpu.memory_space<vmem>>, vector<1x128xf32>
    tpu.vector_store %arg7[%swap3A_79, %swap3A_80], %add3A_78 {strides = array<i32>} : memref<1x128xf32, #tpu.memory_space<vmem>>, vector<1x128xf32>,
    return
  }
}

module attributes {stable_mosaic.version = 14 : i64} {
  func.func @_edge_body(%arg0: i32, %arg1: memref<2000x128xi32, #tpu.memory_space<vmem>>, %arg2: memref<2000x2xf32, #tpu.memory_space<vmem>>, %arg3: memref<1x32xf32, #tpu.memory_space<vmem>>, %arg4: memref<1x32xf32, #tpu.memory_space<vmem>>, %arg5: memref<32x32xf32, #tpu.memory_space<vmem>>, %arg6: memref<32x128xf32, #tpu.memory_space<vmem>>, %arg7: memref<128x1xf32, #tpu.memory_space<vmem>>, %arg8: memref<1x128xf32, #tpu.memory_space<vmem>>, %arg9: memref<2000x2xf32, #tpu.memory_space<vmem>>) attributes {dimension_semantics = [#tpu.dimension_semantics<arbitrary>], iteration_bounds = array<i64: 80>, scalar_prefetch = 0 : i64, scratch_operands = 0 : i64, tpu.core_type = #tpu.core_type<tc>, window_params = [{transform_indices = @transform_0, window_bounds = array<i64: 2000, 128>}, {transform_indices = @transform_1, window_bounds = array<i64: 2000, 2>}, {pipeline_mode = #tpu.pipeline_mode<synchronous>, transform_indices = @transform_2, window_bounds = array<i64: 1, 32>}, {pipeline_mode = #tpu.pipeline_mode<synchronous>, transform_indices = @transform_3, window_bounds = array<i64: 1, 32>}, {pipeline_mode = #tpu.pipeline_mode<synchronous>, transform_indices = @transform_4, window_bounds = array<i64: 32, 32>}, {pipeline_mode = #tpu.pipeline_mode<synchronous>, transform_indices = @transform_5, window_bounds = array<i64: 32, 128>}, {pipeline_mode = #tpu.pipeline_mode<synchronous>, transform_indices = @transform_6, window_bounds = array<i64: 128, 1>}, {pipeline_mode = #tpu.pipeline_mode<synchronous>, transform_indices = @transform_7, window_bounds = array<i64: 1, 128>}, {transform_indices = @transform_8, window_bounds = array<i64: 2000, 2>}]} {
    %get3A = arith.constant 0 : index
    %get3A_0 = arith.constant 0 : index
    %get3A_1 = vector.load %arg1[%get3A, %get3A_0] : memref<2000x128xi32, #tpu.memory_space<vmem>>, vector<2000x128xi32>
    %shift_left3A = arith.constant 16 : i32
    %shift_left3A_2 = vector.broadcast %shift_left3A : i32 to vector<2000x128xi32>
    %shift_left3A_3 = arith.shli %get3A_1, %shift_left3A_2 : vector<2000x128xi32>
    %bitcast_convert_type3A = tpu.bitcast %shift_left3A_3 : vector<2000x128xi32> -> vector<2000x128xf32>
    %shift_right_arithmetic3A = arith.constant 16 : i32
    %shift_right_arithmetic3A_4 = vector.broadcast %shift_right_arithmetic3A : i32 to vector<2000x128xi32>
    %shift_right_arithmetic3A_5 = arith.shrsi %get3A_1, %shift_right_arithmetic3A_4 : vector<2000x128xi32>
    %shift_left3A_6 = arith.constant 16 : i32
    %shift_left3A_7 = vector.broadcast %shift_left3A_6 : i32 to vector<2000x128xi32>
    %shift_left3A_8 = arith.shli %shift_right_arithmetic3A_5, %shift_left3A_7 : vector<2000x128xi32>
    %bitcast_convert_type3A_9 = tpu.bitcast %shift_left3A_8 : vector<2000x128xi32> -> vector<2000x128xf32>
    %get3A_10 = arith.constant 0 : index
    %get3A_11 = arith.constant 0 : index
    %get3A_12 = vector.load %arg5[%get3A_10, %get3A_11] : memref<32x32xf32, #tpu.memory_space<vmem>>, vector<32x32xf32>
    %get3A_13 = arith.constant 0 : index
    %get3A_14 = arith.constant 0 : index
    %get3A_15 = vector.load %arg6[%get3A_13, %get3A_14] : memref<32x128xf32, #tpu.memory_space<vmem>>, vector<32x128xf32>
    %dot_general3A = arith.constant dense<0.000000e+00> : vector<32x128xf32>
    %dot_general3A_16 = tpu.matmul %get3A_12, %get3A_15, %dot_general3A {dimension_numbers = #tpu.dot_dimension_numbers<[1], [0], [0], [1], [0, 0, 1, 1], [], []>, precision = #tpu.contract_precision<fp32>, transpose_lhs_hint = false} : vector<32x32xf32>, vector<32x128xf32>, vector<32x128xf32> -> vector<32x128xf32>
    %get3A_17 = arith.constant 0 : index
    %get3A_18 = arith.constant 0 : index
    %get3A_19 = vector.load %arg2[%get3A_17, %get3A_18] : memref<2000x2xf32, #tpu.memory_space<vmem>>, vector<2000x2xf32>
    %get3A_20 = arith.constant 0 : index
    %get3A_21 = arith.constant 0 : index
    %get3A_22 = vector.load %arg8[%get3A_20, %get3A_21] : memref<1x128xf32, #tpu.memory_space<vmem>>, vector<1x128xf32>
    %slice3A = vector.extract_strided_slice %bitcast_convert_type3A {offsets = [0, 0], sizes = [2000, 64], strides = [1, 1]} : vector<2000x128xf32> to vector<2000x64xf32>
    %slice3A_23 = vector.extract_strided_slice %bitcast_convert_type3A_9 {offsets = [0, 0], sizes = [2000, 64], strides = [1, 1]} : vector<2000x128xf32> to vector<2000x64xf32>
    %concatenate3A = tpu.concatenate %slice3A, %slice3A_23 in 1 : vector<2000x64xf32>, vector<2000x64xf32> -> vector<2000x128xf32>
    %slice3A_24 = vector.extract_strided_slice %get3A_19 {offsets = [0, 0], sizes = [2000, 1], strides = [1, 1]} : vector<2000x2xf32> to vector<2000x1xf32>
    %get3A_25 = arith.constant 0 : index
    %get3A_26 = arith.constant 0 : index
    %get3A_27 = vector.load %arg3[%get3A_25, %get3A_26] : memref<1x32xf32, #tpu.memory_space<vmem>>, vector<1x32xf32>
    %mul3A = vector.broadcast %slice3A_24 : vector<2000x1xf32> to vector<2000x32xf32>
    %mul3A_28 = vector.broadcast %get3A_27 : vector<1x32xf32> to vector<2000x32xf32>
    %mul3A_29 = arith.mulf %mul3A, %mul3A_28 : vector<2000x32xf32>
    %get3A_30 = arith.constant 0 : index
    %get3A_31 = arith.constant 0 : index
    %get3A_32 = vector.load %arg4[%get3A_30, %get3A_31] : memref<1x32xf32, #tpu.memory_space<vmem>>, vector<1x32xf32>
    %add3A = vector.broadcast %get3A_32 : vector<1x32xf32> to vector<2000x32xf32>
    %add3A_33 = arith.addf %mul3A_29, %add3A : vector<2000x32xf32>
    %logistic3A = arith.negf %add3A_33 : vector<2000x32xf32>
    %logistic3A_34 = math.exp %logistic3A : vector<2000x32xf32>
    %logistic3A_35 = arith.constant 1.000000e+00 : f32
    %logistic3A_36 = vector.broadcast %logistic3A_35 : f32 to vector<2000x32xf32>
    %logistic3A_37 = arith.addf %logistic3A_36, %logistic3A_34 : vector<2000x32xf32>
    %logistic3A_38 = arith.divf %logistic3A_36, %logistic3A_37 : vector<2000x32xf32>
    %mul3A_39 = arith.mulf %add3A_33, %logistic3A_38 : vector<2000x32xf32>
    %dot_general3A_40 = arith.constant dense<0.000000e+00> : vector<2000x128xf32>
    %dot_general3A_41 = tpu.matmul %mul3A_39, %dot_general3A_16, %dot_general3A_40 {dimension_numbers = #tpu.dot_dimension_numbers<[1], [0], [0], [1], [0, 0, 1, 1], [], []>, precision = #tpu.contract_precision<fp32>, transpose_lhs_hint = false} : vector<2000x32xf32>, vector<32x128xf32>, vector<2000x128xf32> -> vector<2000x128xf32>
    %add3A_42 = arith.addf %concatenate3A, %dot_general3A_41 : vector<2000x128xf32>
    %add3A_43 = vector.broadcast %get3A_22 : vector<1x128xf32> to vector<2000x128xf32>
    %add3A_44 = arith.addf %add3A_42, %add3A_43 : vector<2000x128xf32>
    %logistic3A_45 = arith.negf %add3A_44 : vector<2000x128xf32>
    %logistic3A_46 = math.exp %logistic3A_45 : vector<2000x128xf32>
    %logistic3A_47 = arith.constant 1.000000e+00 : f32
    %logistic3A_48 = vector.broadcast %logistic3A_47 : f32 to vector<2000x128xf32>
    %logistic3A_49 = arith.addf %logistic3A_48, %logistic3A_46 : vector<2000x128xf32>
    %logistic3A_50 = arith.divf %logistic3A_48, %logistic3A_49 : vector<2000x128xf32>
    %mul3A_51 = arith.mulf %add3A_44, %logistic3A_50 : vector<2000x128xf32>
    %get3A_52 = arith.constant 0 : index
    %get3A_53 = arith.constant 0 : index
    %get3A_54 = vector.load %arg7[%get3A_52, %get3A_53] : memref<128x1xf32, #tpu.memory_space<vmem>>, vector<128x1xf32>
    %dot_general3A_55 = arith.constant dense<0.000000e+00> : vector<2000x1xf32>
    %dot_general3A_56 = tpu.matmul %mul3A_51, %get3A_54, %dot_general3A_55 {dimension_numbers = #tpu.dot_dimension_numbers<[1], [0], [0], [1], [0, 0, 1, 1], [], []>, precision = #tpu.contract_precision<fp32>, transpose_lhs_hint = false} : vector<2000x128xf32>, vector<128x1xf32>, vector<2000x1xf32> -> vector<2000x1xf32>
    %slice3A_57 = vector.extract_strided_slice %bitcast_convert_type3A {offsets = [0, 64], sizes = [2000, 64], strides = [1, 1]} : vector<2000x128xf32> to vector<2000x64xf32>
    %slice3A_58 = vector.extract_strided_slice %bitcast_convert_type3A_9 {offsets = [0, 64], sizes = [2000, 64], strides = [1, 1]} : vector<2000x128xf32> to vector<2000x64xf32>
    %concatenate3A_59 = tpu.concatenate %slice3A_57, %slice3A_58 in 1 : vector<2000x64xf32>, vector<2000x64xf32> -> vector<2000x128xf32>
    %slice3A_60 = vector.extract_strided_slice %get3A_19 {offsets = [0, 1], sizes = [2000, 1], strides = [1, 1]} : vector<2000x2xf32> to vector<2000x1xf32>
    %get3A_61 = arith.constant 0 : index
    %get3A_62 = arith.constant 0 : index
    %get3A_63 = vector.load %arg3[%get3A_61, %get3A_62] : memref<1x32xf32, #tpu.memory_space<vmem>>, vector<1x32xf32>
    %mul3A_64 = vector.broadcast %slice3A_60 : vector<2000x1xf32> to vector<2000x32xf32>
    %mul3A_65 = vector.broadcast %get3A_63 : vector<1x32xf32> to vector<2000x32xf32>
    %mul3A_66 = arith.mulf %mul3A_64, %mul3A_65 : vector<2000x32xf32>
    %get3A_67 = arith.constant 0 : index
    %get3A_68 = arith.constant 0 : index
    %get3A_69 = vector.load %arg4[%get3A_67, %get3A_68] : memref<1x32xf32, #tpu.memory_space<vmem>>, vector<1x32xf32>
    %add3A_70 = vector.broadcast %get3A_69 : vector<1x32xf32> to vector<2000x32xf32>
    %add3A_71 = arith.addf %mul3A_66, %add3A_70 : vector<2000x32xf32>
    %logistic3A_72 = arith.negf %add3A_71 : vector<2000x32xf32>
    %logistic3A_73 = math.exp %logistic3A_72 : vector<2000x32xf32>
    %logistic3A_74 = arith.constant 1.000000e+00 : f32
    %logistic3A_75 = vector.broadcast %logistic3A_74 : f32 to vector<2000x32xf32>
    %logistic3A_76 = arith.addf %logistic3A_75, %logistic3A_73 : vector<2000x32xf32>
    %logistic3A_77 = arith.divf %logistic3A_75, %logistic3A_76 : vector<2000x32xf32>
    %mul3A_78 = arith.mulf %add3A_71, %logistic3A_77 : vector<2000x32xf32>
    %dot_general3A_79 = arith.constant dense<0.000000e+00> : vector<2000x128xf32>
    %dot_general3A_80 = tpu.matmul %mul3A_78, %dot_general3A_16, %dot_general3A_79 {dimension_numbers = #tpu.dot_dimension_numbers<[1], [0], [0], [1], [0, 0, 1, 1], [], []>, precision = #tpu.contract_precision<fp32>, transpose_lhs_hint = false} : vector<2000x32xf32>, vector<32x128xf32>, vector<2000x128xf32> -> vector<2000x128xf32>
    %add3A_81 = arith.addf %concatenate3A_59, %dot_general3A_80 : vector<2000x128xf32>
    %add3A_82 = vector.broadcast %get3A_22 : vector<1x128xf32> to vector<2000x128xf32>
    %add3A_83 = arith.addf %add3A_81, %add3A_82 : vector<2000x128xf32>
    %logistic3A_84 = arith.negf %add3A_83 : vector<2000x128xf32>
    %logistic3A_85 = math.exp %logistic3A_84 : vector<2000x128xf32>
    %logistic3A_86 = arith.constant 1.000000e+00 : f32
    %logistic3A_87 = vector.broadcast %logistic3A_86 : f32 to vector<2000x128xf32>
    %logistic3A_88 = arith.addf %logistic3A_87, %logistic3A_85 : vector<2000x128xf32>
    %logistic3A_89 = arith.divf %logistic3A_87, %logistic3A_88 : vector<2000x128xf32>
    %mul3A_90 = arith.mulf %add3A_83, %logistic3A_89 : vector<2000x128xf32>
    %get3A_91 = arith.constant 0 : index
    %get3A_92 = arith.constant 0 : index
    %get3A_93 = vector.load %arg7[%get3A_91, %get3A_92] : memref<128x1xf32, #tpu.memory_space<vmem>>, vector<128x1xf32>
    %dot_general3A_94 = arith.constant dense<0.000000e+00> : vector<2000x1xf32>
    %dot_general3A_95 = tpu.matmul %mul3A_90, %get3A_93, %dot_general3A_94 {dimension_numbers = #tpu.dot_dimension_numbers<[1], [0], [0], [1], [0, 0, 1, 1], [], []>, precision = #tpu.contract_precision<fp32>, transpose_lhs_hint = false} : vector<2000x128xf32>, vector<128x1xf32>, vector<2000x1xf32> -> vector<2000x1xf32>
    %concatenate3A_96 = tpu.concatenate %dot_general3A_56, %dot_general3A_95 in 1 : vector<2000x1xf32>, vector<2000x1xf32> -> vector<2000x2xf32>
    %swap3A = arith.constant 0 : index
    %swap3A_97 = arith.constant 0 : index
    %swap3A_98 = vector.load %arg9[%swap3A, %swap3A_97] : memref<2000x2xf32, #tpu.memory_space<vmem>>, vector<2000x2xf32>
    tpu.vector_store %arg9[%swap3A, %swap3A_97], %concatenate3A_96 {strides = array<i32>} : memref<2000x2xf32, #tpu.memory_space<vmem>>, vector<2000x2xf32>,
    return
  }
  func.func @transform_0(%arg0: i32) -> (i32, i32) {
    %c0_i32 = arith.constant 0 : i32
    %c0_i32_0 = arith.constant 0 : i32
    return %arg0, %c0_i32 : i32, i32
  }
  func.func @transform_1(%arg0: i32) -> (i32, i32) {
    %c0_i32 = arith.constant 0 : i32
    %c0_i32_0 = arith.constant 0 : i32
    return %arg0, %c0_i32 : i32, i32
  }
  func.func @transform_2(%arg0: i32) -> (i32, i32) {
    %c0_i32 = arith.constant 0 : i32
    %c0_i32_0 = arith.constant 0 : i32
    %c0_i32_1 = arith.constant 0 : i32
    return %c0_i32, %c0_i32_0 : i32, i32
  }
  func.func @transform_3(%arg0: i32) -> (i32, i32) {
    %c0_i32 = arith.constant 0 : i32
    %c0_i32_0 = arith.constant 0 : i32
    %c0_i32_1 = arith.constant 0 : i32
    return %c0_i32, %c0_i32_0 : i32, i32
  }
  func.func @transform_4(%arg0: i32) -> (i32, i32) {
    %c0_i32 = arith.constant 0 : i32
    %c0_i32_0 = arith.constant 0 : i32
    %c0_i32_1 = arith.constant 0 : i32
    return %c0_i32, %c0_i32_0 : i32, i32
  }
  func.func @transform_5(%arg0: i32) -> (i32, i32) {
    %c0_i32 = arith.constant 0 : i32
    %c0_i32_0 = arith.constant 0 : i32
    %c0_i32_1 = arith.constant 0 : i32
    return %c0_i32, %c0_i32_0 : i32, i32
  }
  func.func @transform_6(%arg0: i32) -> (i32, i32) {
    %c0_i32 = arith.constant 0 : i32
    %c0_i32_0 = arith.constant 0 : i32
    %c0_i32_1 = arith.constant 0 : i32
    return %c0_i32, %c0_i32_0 : i32, i32
  }
  func.func @transform_7(%arg0: i32) -> (i32, i32) {
    %c0_i32 = arith.constant 0 : i32
    %c0_i32_0 = arith.constant 0 : i32
    %c0_i32_1 = arith.constant 0 : i32
    return %c0_i32, %c0_i32_0 : i32, i32
  }
  func.func @transform_8(%arg0: i32) -> (i32, i32) {
    %c0_i32 = arith.constant 0 : i32
    %c0_i32_0 = arith.constant 0 : i32
    return %arg0, %c0_i32 : i32, i32
  }
}

module attributes {stable_mosaic.version = 14 : i64} {
  func.func @_reduce_body(%arg0: memref<32x3x10000xf32, #tpu.memory_space<vmem>>, %arg1: memref<3x10000xf32, #tpu.memory_space<vmem>>, %arg2: memref<3x10000xf32, #tpu.memory_space<vmem>>) attributes {dimension_semantics = [], scalar_prefetch = 0 : i64, scratch_operands = 0 : i64, tpu.core_type = #tpu.core_type<tc>} {
    %get3A = arith.constant 0 : index
    %get3A_0 = arith.constant 0 : index
    %get3A_1 = vector.load %arg1[%get3A, %get3A_0] : memref<3x10000xf32, #tpu.memory_space<vmem>>, vector<3x10000xf32>
    %get3A_2 = arith.constant 0 : index
    %get3A_3 = arith.constant 0 : index
    %get3A_4 = arith.constant 0 : index
    %get3A_5 = vector.load %arg0[%get3A_2, %get3A_3, %get3A_4] : memref<32x3x10000xf32, #tpu.memory_space<vmem>>, vector<32x3x10000xf32>
    %reduce_sum3A = arith.constant dense<0.000000e+00> : vector<3x10000xf32>
    %reduce_sum3A_6 = vector.multi_reduction <add>, %get3A_5, %reduce_sum3A [0] : vector<32x3x10000xf32> to vector<3x10000xf32>
    %add3A = arith.addf %get3A_1, %reduce_sum3A_6 : vector<3x10000xf32>
    %swap3A = arith.constant 0 : index
    %swap3A_7 = arith.constant 0 : index
    %swap3A_8 = vector.load %arg2[%swap3A, %swap3A_7] : memref<3x10000xf32, #tpu.memory_space<vmem>>, vector<3x10000xf32>
    tpu.vector_store %arg2[%swap3A, %swap3A_7], %add3A {strides = array<i32>} : memref<3x10000xf32, #tpu.memory_space<vmem>>, vector<3x10000xf32>,
    return
  }
}

</mosaic_0001>

<sc_bundles>
// kernel: kernel.10.cloned.1.call-start
scs
__scs_entry_jumppad:
0x0: {  	(pc) =	sbr.rel $0x88, $3  }
0x1: {  	(tag) =	ssettag $0x0;
	lr =	simm.s32 $0x1  }
0x2: {  	[smem:$0x3F95] =	sst lr;
	_ =	strace $0xD0000000  }
0x3: {  	_ = 	snop  }
0x4: {  	_ = 	snop  }
0x5: {  	_ = 	snop  }
0x6: {  	_ = 	snop  }
0x7: {  	_ = 	snop  }
__scs_overlays_trampoline_lowered:
0x8: {  	[smem:$0x3FA4] =	sst s0  }
0x9: {  	[smem:$0x3FA5] =	sst s1  }
0xa: {  	[smem:$0x3FA6] =	sst s2  }
0xb: {  	[smem:$0x3FA7] =	sst s3  }
0xc: {  	[smem:$0x3FA8] =	sst s4  }
0xd: {  	[smem:$0x3FA9] =	sst s5  }
0xe: {  	[smem:$0x3FAA] =	sst s6  }
0xf: {  	[smem:$0x3FAB] =	sst s7  }
0x10: {  	[smem:$0x3FAC] =	sst s8  }
0x11: {  	[smem:$0x3FAD] =	sst s9;
	s0 =	simm.s32 @!p0 $0x0  }
0x12: {  	s1 =	sld [smem:$0x3F93];
	s0 =	simm.s32 @p0 $0x1  }
0x13: {  	[smem:$0x3FAE] =	sst s0;
	s0 =	simm.s32 @!p1 $0x0  }
0x14: {  	s2 =	sld [smem:$0x3F92];
	s0 =	simm.s32 @p1 $0x1  }
0x15: {  	[smem:$0x3FAF] =	sst s0;
	s0 =	simm.s32 @!p2 $0x0  }
0x16: {  	s3 =	sld [smem:$0x3FDB];
	s0 =	simm.s32 @p2 $0x1  }
0x17: {  	s4 =	simm.s32 $0x1BF5;
	[smem:$0x3FB1] =	sst s0  }
0x18: {  	s0 =	sld [smem:$0x3F94];
	_ =	swait.ge [sflag:s4], $0x0  }
0x19: {  	s7 =	sld [smem:$0x3F95]  }
0x1a: {  	s8 =	sadd.s32 $0xFFFFE003, lr  }
0x1b: {  	s9 =	sadd.s32 $0xFFFFFEF7, lr;
	s5 =	simm.s32 $0xFFFFFFFF;
	p2 =	slt.u32 s8, $0xFFFFF086  }
0x1c: {  	p1 =	slt.u32 s9, $0xF7A;
	s5 =	simm.s32 @!p2 $0x0  }
0x1d: {  	s5 =	simm.s32 @p1 $0x1;
	p0 =	seq.s32 s7, s2  }
0x1e: {  	s7 =	smul.u32 @!p0 $0xF7A, s2;
	p2 =	seq.s32 @!p0 s5, $0x0  }
0x1f: {  	s9 =	smul.u32 $0xF7A, s1;
	s8 =	simm.s32 @!p0 $0x1BF5;
	p2 =	por !p2, p0  }
0x20: {  	[sflag:s8] =	ssyncset.s32 @!p0 $0xFFFFF086;
	s6 =	sadd.s32 @!p0 s3, s7;
	s7 =	simm.s32 @!p0 $0x108  }
0x21: {  	s3 =	sadd.s32 s3, s9;
	s6 =	sadd.s32 @!p0 $0x88, s6;
	s7 =	simm.s32 @p2 $0x1082  }
0x22: {  	[simem:s7], [sflag:s8] =	dma.local @!p0 [hbm:s6], $0xF7A  }
0x23: {  	s9 =	sor.u32 $0xD0000000, s2;
	s6 =	simm.s32 $0x108;
	_ =	swait.ge @!p0 [sflag:s8], $0x0  }
0x24: {  	s3 =	sadd.s32 $0x88, s3;
	s6 =	simm.s32 @!p1 $0x1082;
	[sflag:s4] =	ssyncset.s32 $0xFFFFF086  }
0x25: {  	[simem:s6], [sflag:s4] =	dma.local [hbm:s3], $0xF7A  }
0x26: {  	[smem:$0x3F95] =	sst s1;
	(tag) =	ssettag s2;
	_ =	strace s9  }
0x27: {  	s1 =	sld [smem:$0x3FA5]  }
0x28: {  	s2 =	sld [smem:$0x3FA6]  }
0x29: {  	s4 =	sld [smem:$0x3FA8]  }
0x2a: {  	p0 =	seq.s32 s5, $0x0;
	s5 =	sld [smem:$0x3FA9]  }
0x2b: {  	s6 =	sld [smem:$0x3FAA]  }
0x2c: {  	s7 =	sld [smem:$0x3FAB]  }
0x2d: {  	s3 =	simm.s32 $0x108;
	s8 =	sld [smem:$0x3FAC]  }
0x2e: {  	s3 =	simm.s32 @!p0 $0x1082;
	s9 =	sld [smem:$0x3FAD]  }
0x2f: {  	lr =	sadd.s32 s0, s3;
	s0 =	sld [smem:$0x3FA4]  }
0x30: {  	s3 =	sld [smem:$0x3FA7]  }
0x31: {  	[smem:$0x3FB0] =	sst s10  }
0x32: {  	s10 =	sld [smem:$0x3FAE];
	_ =	sdelay $0x3  }
0x33: {  	p0 =	seq.s32 s10, $0x1;
	s10 =	sld [smem:$0x3FB0];
	_ =	sdelay $0x3  }
0x34: {  	[smem:$0x3FB0] =	sst s10  }
0x35: {  	s10 =	sld [smem:$0x3FAF];
	_ =	sdelay $0x3  }
0x36: {  	p1 =	seq.s32 s10, $0x1;
	s10 =	sld [smem:$0x3FB0];
	_ =	sdelay $0x3  }
0x37: {  	[smem:$0x3FB0] =	sst s10  }
0x38: {  	s10 =	sld [smem:$0x3FB1]  }
0x39: {  	_ = 	snop;
	(pc) =	sbr.ind lr, $3  }
0x3a: {  	_ = 	snop  }
0x3b: {  	_ = 	snop  }
0x3c: {  	p2 =	seq.s32 s10, $0x1;
	s10 =	sld [smem:$0x3FB0]  }
0x3d: {  	_ =	shalt  }
0x3e: {  	_ =	shalt  }
0x3f: {  	_ =	shalt  }
0x40: {  	_ =	shalt  }
0x41: {  	_ =	shalt  }
0x42: {  	_ =	shalt  }
0x43: {  	_ =	shalt  }
0x44: {  	_ =	shalt  }
0x45: {  	_ =	shalt  }
0x46: {  	_ =	shalt  }
0x47: {  	_ =	shalt  }
0x48: {  	_ =	shalt  }
0x49: {  	_ =	shalt  }
0x4a: {  	_ =	shalt  }
0x4b: {  	_ =	shalt  }
0x4c: {  	_ =	shalt  }
0x4d: {  	_ =	shalt  }
0x4e: {  	_ =	shalt  }
0x4f: {  	_ =	shalt  }
0x50: {  	_ =	shalt  }
0x51: {  	_ =	shalt  }
0x52: {  	_ =	shalt  }
0x53: {  	_ =	shalt  }
0x54: {  	_ =	shalt  }
0x55: {  	_ =	shalt  }
0x56: {  	_ =	shalt  }
0x57: {  	_ =	shalt  }
0x58: {  	_ =	shalt  }
0x59: {  	_ =	shalt  }
0x5a: {  	_ =	shalt  }
0x5b: {  	_ =	shalt  }
0x5c: {  	_ =	shalt  }
0x5d: {  	_ =	shalt  }
0x5e: {  	_ =	shalt  }
0x5f: {  	_ =	shalt  }
0x60: {  	_ =	shalt  }
0x61: {  	_ =	shalt  }
0x62: {  	_ =	shalt  }
0x63: {  	_ =	shalt  }
0x64: {  	_ =	shalt  }
0x65: {  	_ =	shalt  }
0x66: {  	_ =	shalt  }
0x67: {  	_ =	shalt  }
0x68: {  	_ =	shalt  }
0x69: {  	_ =	shalt  }
0x6a: {  	_ =	shalt  }
0x6b: {  	_ =	shalt  }
0x6c: {  	_ =	shalt  }
0x6d: {  	_ =	shalt  }
0x6e: {  	_ =	shalt  }
0x6f: {  	_ =	shalt  }
0x70: {  	_ =	shalt  }
0x71: {  	_ =	shalt  }
0x72: {  	_ =	shalt  }
0x73: {  	_ =	shalt  }
0x74: {  	_ =	shalt  }
0x75: {  	_ =	shalt  }
0x76: {  	_ =	shalt  }
0x77: {  	_ =	shalt  }
0x78: {  	_ =	shalt  }
0x79: {  	_ =	shalt  }
0x7a: {  	_ =	shalt  }
0x7b: {  	_ =	shalt  }
0x7c: {  	_ =	shalt  }
0x7d: {  	_ =	shalt  }
0x7e: {  	_ =	shalt  }
0x7f: {  	_ =	shalt  }
0x80: {  	_ =	shalt  }
0x81: {  	_ =	shalt  }
0x82: {  	_ =	shalt  }
0x83: {  	_ =	shalt  }
0x84: {  	_ =	shalt  }
0x85: {  	_ =	shalt  }
0x86: {  	_ =	shalt  }
0x87: {  	_ =	shalt  }
.Lfunc_end0:
.L_simem_size_0:
called_computation.1_lowered:
.L_overlay_start_0:
0x88: {  	s2 =	sld [smem:$0x3FD9]  }
0x89: {  	s3 =	sld [smem:$0x3FFE];
	_ =	sdelay $0x1  }
0x8a: {  	s1 =	srdreg.scid  }
0x8b: {  	s0 =	sand.u32 $0x1, s1  }
0x8c: {  	s16 =	sshll.u32 s0, $0xA;
	s2 =	sadd.s32 s3, s2  }
0x8d: {  	s2 =	sadd.s32 s2, s16  }
0x8e: {  	[smem:$0x3FBC] =	sst s2  }
0x8f: {  	_ = 	snop  }
0x90: {  	(tm) =	ssettm $0x1  }
0x91: {  	s17 =	sld [smem:$0x3FFB];
	_ =	sdelay $0x3  }
0x92: {  	_ =	strace s17  }
0x93: {  	s2 =	sld [smem:$0x3FFC];
	_ =	sdelay $0x3  }
0x94: {  	_ =	strace s2  }
0x95: {  	s2 =	sld [smem:$0x3FFD];
	_ =	sdelay $0x3  }
0x96: {  	_ =	strace s2  }
0x97: {  	_ =	strace $0x8FFFFFFF  }
0x98: {  	s18 =	sld [smem:$0x3FDB];
	_ =	sdelay $0x1  }
0x99: {  	s19 =	simm.s32 $_scs_section_size  }
0x9a: {  	s4 =	simm.s32 $_size__tile_overlayer_lowered;
	s5 =	simm.s32 $_tile_overlayer_lowered  }
0x9b: {  	s22 =	simm.s32 $0x1BFF;
	s21 =	sshll.u32 s5, $0x1;
	s2 =	sadd.s32 s19, s18  }
0x9c: {  	s6 =	simm.s32 $0x0;
	s20 =	sshll.u32 s4, $0x1;
	s4 =	sadd.s32 s21, s2  }
0x9d: {  	[timem:s6], [sflag:s22] =	dma.local [hbm:s4], s20  }
0x9e: {  	_ =	swait.ge [sflag:s22], s20  }
0x9f: {  	s3 =	ssub.s32 $0x0, s20;
	[sflag:s22] =	ssyncset.done $0x0  }
0xa0: {  	[sflag:s22] =	ssyncadd.s32 s3;
	_ =	sdelay $0x1  }
0xa1: {  	s23 =	simm.s32 $0x1B8B  }
0xa2: {  	_ =	swait.ge [sflag:s23], $0x1  }
0xa3: {  	[sflag:s23] =	ssyncset.done $0x0  }
0xa4: {  	s25 =	simm.s32 $0x1B8E;
	s24 =	sld [smem:$0x3FFE];
	[sflag:s23] =	ssyncadd.s32 $0xFFFFFFFF  }
0xa5: {  	s26 =	simm.s32 $execute0_lowered;
	[smem:$0x3FD2] =	sst s25  }
0xa6: {  	s4 =	sshll.u32 s26, $0x1;
	_ =	strace $0x80000049;
	[dreg:$0x1] =	wrdreg $0xFFFFFFFF  }
0xa7: {  	s28 =	simm.s32 $_size_execute0_lowered;
	s2 =	sadd.s32 s2, s4;
	[dreg:$0x0] =	wrdreg $0x0  }
0xa8: {  	s4 =	sshll.u32 s28, $0x1;
	[dreg:$0x2] =	wrdreg s2  }
0xa9: {  	[dreg:$0x3] =	wrdreg s4  }
0xaa: {  	[dreg:$0x4] =	wrdreg $0xC0  }
0xab: {  	_ =	task [dreg:s6], $0x5FFFF  }
0xac: {  	[dreg:$0x1] =	wrdreg $0xFFFFFFFF  }
0xad: {  	[dreg:$0x0] =	wrdreg $0x60  }
0xae: {  	[dreg:$0x2] =	wrdreg s24  }
0xaf: {  	[dreg:$0x3] =	wrdreg $0x9  }
0xb0: {  	_ =	task.clear_ibuf [dreg:s6], $0x4FFFF;
	_ =	strace $0x90000049  }
0xb1: {  	s29 =	simm.s32 $0x9;
	_ =	strace $0x8000004B  }
0xb2: {  	_ =	swait.ge [sflag:s29], $0x1  }
0xb3: {  	[sflag:s29] =	ssyncadd.s32 $0xFFFFFFFF  }
0xb4: {  	_ =	strace $0x9000004B  }
0xb5: {  	_ =	sfence  }
0xb6: {  	s30 =	sld [smem:$0x0];
	_ =	sdelay $0x2  }
0xb7: {  	s31 =	sshll.u32 s1, $0xD;
	s1 =	sshrl.u32 s1, $0x2  }
0xb8: {  	s3 =	sand.u32 $0x4000, s31;
	s1 =	sadd.s32 s1, s30  }
0xb9: {  	s0 =	sor.u32 s3, s0;
	s1 =	sshll.u32 s1, $0x11  }
0xba: {  	s0 =	sor.u32 s1, s0  }
0xbb: {  	s0 =	sadd.s32 $0x8F2B, s0  }
0xbc: {  	[sflag:s0] =	ssyncadd.remote.s32 $0x1  }
0xbd: {  	_ =	sfence.sel $0xFFFF  }
0xbe: {  	[dreg:$0x0] =	wrdreg $0xFFFFFFFF;
	(pc) =	sbr.abs _section_cstart, $3  }
0xbf: {  	[dreg:$0x1] =	wrdreg $0xFFFFFFFF  }
0xc0: {  	_ =	task.clear_ibuf [dreg:s6], $0x2FFFF;
	_ =	strace $0x9FFFFFFF  }
0xc1: {  	(tm) =	ssettm $0x7FFFFFFF  }
tec
execute0_lowered:
.L_overlay_start_1:
0x0: {  	(tag) =	ssettag $0x1  }
0x1: {  	s9 =	rddreg [dreg:$0x0]  }
0x2: {  	s0 =	rddreg [dreg:$0x1]  }
0x3: {  	s3 =	srdreg.scid;
	s1 =	stileid.u32  }
0x4: {  	s2 =	simm.s32 $0x0;
	s14 =	simm.s32 $0x1;
	s15 =	simm.s32 $0x2780  }
0x5: {  	s16 =	simm.s32 $0x4F00;
	s17 =	simm.s32 $0xED00;
	s18 =	simm.s32 $0xF500  }
0x6: {  	s19 =	simm.s32 $0xFD00;
	s20 =	simm.s32 $0x7680;
	s21 =	simm.s32 $0x9E00  }
0x7: {  	s22 =	simm.s32 $0xC580;
	s23 =	simm.s32 $0x0;
	s6 =	sand.u32 $0x1, s3  }
0x8: {  	s30 =	sshll.u32 s1, $0x1;
	[smem:$0x7FF] =	sst s2;
	s3 =	sadd.s32 $0x51E600, s9  }
0x9: {  	s4 =	sadd.s32 $0x32800, s9;
	s7 =	sor.u32 s6, s30;
	s10 =	ssub.s32 $0x2, s6  }
0xa: {  	s5 =	sadd.s32 $0x28A00, s9;
	s8 =	smul.u32 $0x7530, s7;
	s31 =	sshrl.u32 s10, $0x1  }
0xb: {  	_ =	strace $0x8000004A;
	s6 =	sadd.s32 $0x1600, s9;
	s13 =	ssub.s32 s10, s31  }
0xc: {  	s7 =	smul.u32 $0x2710, s7;
	s8 =	sshrl.u32 s8, $0x3;
	s13 =	smax.u32 s13, $0x1  }
0xd: {  	s12 =	sadd.s32 s8, s9;
	s8 =	sadd.s32 $0x51EAE2, s9;
	s9 =	sadd.s32 $0x51EFC4, s9  }
0xe: {  	v0 =	vimm.f32 $0.0e+00;
	s10 =	sadd.s32 $0x3C600, s12;
	s11 =	sadd.s32 $0x3CAE2, s12;
	s12 =	sadd.s32 $0x3CFC4, s12  }
.LBB2_1:
0xf: {  	[tilespmem:s2], [sflag:$0x1] =	stream.linear.gather [hbm4b:s3+s2], $0x2710, $0x38;
	[tilespmem:$0x10500] =	vst v63  }
0x10: {  	_ =	swait.ge [sflag:s14], $0x2710  }
0x11: {  	[sflag:s14] =	ssyncset.done $0x0  }
0x12: {  	[sflag:s14] =	ssyncadd.s32 $0xFFFFD8F0  }
0x13: {  	[tilespmem:s15], [sflag:$0x1] =	stream.linear.gather [hbm4b:s8+s2], $0x2710, $0x38;
	[tilespmem:$0x10500] =	vst v63  }
0x14: {  	_ =	swait.ge [sflag:s14], $0x2710  }
0x15: {  	[sflag:s14] =	ssyncset.done $0x0  }
0x16: {  	[sflag:s14] =	ssyncadd.s32 $0xFFFFD8F0  }
0x17: {  	[tilespmem:s16], [sflag:$0x1] =	stream.linear.gather [hbm4b:s9+s2], $0x2710, $0x38;
	[tilespmem:$0x10500] =	vst v63  }
0x18: {  	_ =	swait.ge [sflag:s14], $0x2710  }
0x19: {  	[sflag:s14] =	ssyncset.done $0x0  }
0x1a: {  	s24 =	simm.s32 $0x40;
	s25 =	simm.s32 $0x0;
	[sflag:s14] =	ssyncadd.s32 $0xFFFFD8F0  }
.LBB2_2:
0x1b: {  	p0 =	sne.s32 s24, $0x9C00;
	[tilespmem:s25+$0xC580] =	vst v0;
	s26 =	smov.u32 s24;
	s24 =	sadd.s32 $0x40, s24  }
.Ltmp0:
0x1c: {  	[tilespmem:s25+$0x7680] =	vst v0;
	(pc) =	sbr.rel @p0 .LBB2_2-.Ltmp0, $2  }
0x1d: {  	[tilespmem:s25+$0x9E00] =	vst v0;
	_ =	sdelay $0x2  }
0x1e: {  	s25 =	sshra.s32 s26, $0x2  }
0x1f: {  	[tilespmem:s25+$0xC580] =	vst v0  }
0x20: {  	[tilespmem:s25+$0x7680] =	vst v0  }
0x21: {  	s24 =	simm.s32 $0x0;
	[tilespmem:s25+$0x9E00] =	vst v0;
	s25 =	simm.s32 $0x0  }
.LBB2_4:
0x22: {  	s26 =	smul.u32 $0x7D0, s25;
	_ =	sdelay $0x1  }
0x23: {  	s26 =	sadd.s32 s7, s26  }
0x24: {  	s26 =	sshrl.u32 s26, $0x3  }
0x25: {  	s28 =	sadd.s32 s4, s26  }
0x26: {  	[tilespmem:s17], [sflag:$0x1] =	stream.linear.gather [hbm4b:s28+s24], $0x7D0, $0x38;
	[tilespmem:$0x10500] =	vst v63  }
0x27: {  	_ =	swait.ge [sflag:s14], $0x7D0  }
0x28: {  	[sflag:s14] =	ssyncset.done $0x0  }
0x29: {  	s30 =	sadd.s32 s5, s26;
	[sflag:s14] =	ssyncadd.s32 $0xFFFFF830  }
0x2a: {  	[tilespmem:s18], [sflag:$0x1] =	stream.linear.gather [hbm4b:s30+s24], $0x7D0, $0x38;
	[tilespmem:$0x10500] =	vst v63  }
0x2b: {  	_ =	swait.ge [sflag:s14], $0x7D0  }
0x2c: {  	[sflag:s14] =	ssyncset.done $0x0  }
0x2d: {  	s26 =	sadd.s32 s6, s26;
	[sflag:s14] =	ssyncadd.s32 $0xFFFFF830  }
0x2e: {  	[tilespmem:s19], [sflag:$0x1] =	stream.linear.gather [hbm4b:s26+s24], $0x7D0, $0x38;
	[tilespmem:$0x10500] =	vst v63  }
0x2f: {  	_ =	swait.ge [sflag:s14], $0x7D0  }
0x30: {  	[sflag:s14] =	ssyncset.done $0x0  }
0x31: {  	s31 =	simm.s32 $0x0;
	[sflag:s14] =	ssyncadd.s32 $0xFFFFF830  }
0x32: {  	v2 =	vld [tilespmem:s31+$0xED00];
	_ =	sdelay $0x1  }
0x33: {  	v1 =	vld [tilespmem:s31+$0xF500];
	_ =	sdelay $0x5  }
0x34: {  	v3 =	vld.idx.msk [tilespmem:v2+s2+$0x0], $0xffff  }
0x35: {  	v4 =	vld.idx.msk [tilespmem:v2+s15+$0x0], $0xffff  }
0x36: {  	v5 =	vld.idx.msk [tilespmem:v1+s2+$0x0], $0xffff  }
0x37: {  	v6 =	vld.idx.msk [tilespmem:v1+s15+$0x0], $0xffff  }
0x38: {  	v2 =	vld.idx.msk [tilespmem:v2+s16+$0x0], $0xffff  }
0x39: {  	v7 =	vld.idx.msk [tilespmem:v1+s16+$0x0], $0xffff;
	_ =	sdelay $0x2  }
0x3a: {  	v3 =	vsub.f32 v3, v5;
	v4 =	vsub.f32 v4, v6;
	_ =	sdelay $0x1  }
0x3b: {  	v2 =	vsub.f32 v2, v7;
	v5 =	vmul.f32 v3, v3;
	v6 =	vmul.f32 v4, v4;
	_ =	sdelay $0x1  }
0x3c: {  	v7 =	vmul.f32 v2, v2;
	v5 =	vadd.f32 v6, v5;
	_ =	sdelay $0x1  }
0x3d: {  	v5 =	vadd.f32 v7, v5;
	_ =	sdelay $0x1  }
0x3e: {  	v5 =	vmax.f32 v5, $1.000000020e-16  }
0x3f: {  	v6 =	vshrl.u32 v5, $0x1;
	v5 =	vmul.f32 $5.000000000e-01, v5  }
0x40: {  	v6 =	vsub.s32 $0x5F3759DF, v6  }
0x41: {  	v7 =	vmul.f32 v6, v5;
	_ =	sdelay $0x1  }
0x42: {  	v7 =	vmul.f32 v6, v7;
	_ =	sdelay $0x1  }
0x43: {  	v7 =	vsub.f32 $1.500000000e+00, v7;
	_ =	sdelay $0x1  }
0x44: {  	v6 =	vmul.f32 v6, v7;
	_ =	sdelay $0x1  }
0x45: {  	v7 =	vmul.f32 v6, v5;
	_ =	sdelay $0x1  }
0x46: {  	v7 =	vmul.f32 v7, v6;
	_ =	sdelay $0x1  }
0x47: {  	v7 =	vsub.f32 $1.500000000e+00, v7;
	_ =	sdelay $0x1  }
0x48: {  	v6 =	vmul.f32 v7, v6;
	_ =	sdelay $0x1  }
0x49: {  	v5 =	vmul.f32 v6, v5;
	_ =	sdelay $0x1  }
0x4a: {  	v5 =	vmul.f32 v5, v6  }
0x4b: {  	v7 =	vld [tilespmem:s31+$0xFD00]  }
0x4c: {  	v5 =	vsub.f32 $1.500000000e+00, v5;
	_ =	sdelay $0x1  }
0x4d: {  	v5 =	vmul.f32 v5, v6;
	_ =	sdelay $0x1  }
0x4e: {  	s26 =	simm.s32 $0x40;
	v5 =	vmul.f32 v5, v7  }
.LBB2_5:
0x4f: {  	_ = 	snop  }
0x50: {  	p0 =	sne.s32 s26, $0x1F00;
	s28 =	smov.u32 s26;
	s26 =	sadd.s32 $0x40, s26;
	v3 =	vmul.f32 v5, v3;
	v4 =	vmul.f32 v5, v4  }
0x51: {  	v2 =	vmul.f32 v5, v2  }
0x52: {  	[tilespmem:v1+s20+$0x0] =	vst.idx.add.f32.msk $0xffff, v3  }
0x53: {  	[tilespmem:v1+s21+$0x0] =	vst.idx.add.f32.msk $0xffff, v4  }
0x54: {  	s28 =	sshra.s32 s28, $0x2;
	[tilespmem:v1+s22+$0x0] =	vst.idx.add.f32.msk $0xffff, v2  }
0x55: {  	v2 =	vld [tilespmem:s28+$0xED00]  }
0x56: {  	v1 =	vld [tilespmem:s28+$0xF500];
	_ =	sdelay $0x6  }
0x57: {  	v5 =	vld.idx.msk [tilespmem:v2+s16+$0x0], $0xffff  }
0x58: {  	v3 =	vld.idx.msk [tilespmem:v2+s2+$0x0], $0xffff  }
0x59: {  	v2 =	vld.idx.msk [tilespmem:v2+s15+$0x0], $0xffff  }
0x5a: {  	v4 =	vld.idx.msk [tilespmem:v1+s2+$0x0], $0xffff  }
0x5b: {  	v6 =	vld.idx.msk [tilespmem:v1+s15+$0x0], $0xffff  }
0x5c: {  	v7 =	vld.idx.msk [tilespmem:v1+s16+$0x0], $0xffff;
	_ =	sdelay $0x3  }
0x5d: {  	v3 =	vsub.f32 v3, v4  }
0x5e: {  	v4 =	vsub.f32 v2, v6  }
0x5f: {  	v2 =	vsub.f32 v5, v7;
	v5 =	vmul.f32 v3, v3  }
0x60: {  	v6 =	vmul.f32 v4, v4  }
0x61: {  	v7 =	vmul.f32 v2, v2  }
0x62: {  	v5 =	vadd.f32 v6, v5;
	_ =	sdelay $0x1  }
0x63: {  	v5 =	vadd.f32 v7, v5;
	_ =	sdelay $0x1  }
0x64: {  	v5 =	vmax.f32 v5, $1.000000020e-16  }
0x65: {  	v6 =	vshrl.u32 v5, $0x1;
	v5 =	vmul.f32 $5.000000000e-01, v5  }
0x66: {  	v6 =	vsub.s32 $0x5F3759DF, v6  }
0x67: {  	v7 =	vmul.f32 v6, v5;
	_ =	sdelay $0x1  }
0x68: {  	v7 =	vmul.f32 v6, v7;
	_ =	sdelay $0x1  }
0x69: {  	v7 =	vsub.f32 $1.500000000e+00, v7;
	_ =	sdelay $0x1  }
0x6a: {  	v6 =	vmul.f32 v6, v7;
	_ =	sdelay $0x1  }
0x6b: {  	v7 =	vmul.f32 v6, v5;
	_ =	sdelay $0x1  }
0x6c: {  	v7 =	vmul.f32 v7, v6;
	_ =	sdelay $0x1  }
0x6d: {  	v7 =	vsub.f32 $1.500000000e+00, v7;
	_ =	sdelay $0x1  }
0x6e: {  	v6 =	vmul.f32 v7, v6;
	_ =	sdelay $0x1  }
0x6f: {  	v5 =	vmul.f32 v6, v5;
	_ =	sdelay $0x1  }
0x70: {  	v5 =	vmul.f32 v5, v6;
	v7 =	vld [tilespmem:s28+$0xFD00];
	_ =	sdelay $0x1  }
.Ltmp1:
0x71: {  	v5 =	vsub.f32 $1.500000000e+00, v5;
	(pc) =	sbr.rel @p0 .LBB2_5-.Ltmp1, $3  }
0x72: {  	_ = 	snop  }
0x73: {  	v5 =	vmul.f32 v5, v6;
	_ =	sdelay $0x1  }
0x74: {  	v5 =	vmul.f32 v5, v7  }
0x75: {  	s25 =	sadd.s32 $0x1, s25  }
0x76: {  	p0 =	sne.s32 s25, $0x5  }
.Ltmp2:
0x77: {  	v3 =	vmul.f32 v5, v3;
	(pc) =	sbr.rel @p0 .LBB2_4-.Ltmp2, $4  }
0x78: {  	v4 =	vmul.f32 v5, v4  }
0x79: {  	v2 =	vmul.f32 v5, v2;
	[tilespmem:v1+s20+$0x0] =	vst.idx.add.f32.msk $0xffff, v3  }
0x7a: {  	[tilespmem:v1+s21+$0x0] =	vst.idx.add.f32.msk $0xffff, v4  }
0x7b: {  	[tilespmem:v1+s22+$0x0] =	vst.idx.add.f32.msk $0xffff, v2  }
0x7c: {  	[hbm4b:s10+s2] =	stream.linear.scatter [tilespmem:s20], [sflag:$0x1], $0x2710, $0x38;
	[tilespmem:$0x10500] =	vst v63  }
0x7d: {  	_ =	swait.ge [sflag:s14], $0x2710  }
0x7e: {  	[sflag:s14] =	ssyncset.done $0x0  }
0x7f: {  	[sflag:s14] =	ssyncadd.s32 $0xFFFFD8F0  }
0x80: {  	[hbm4b:s11+s2] =	stream.linear.scatter [tilespmem:s21], [sflag:$0x1], $0x2710, $0x38;
	[tilespmem:$0x10500] =	vst v63  }
0x81: {  	s23 =	sadd.s32 $0x1, s23;
	_ =	swait.ge [sflag:s14], $0x2710  }
0x82: {  	p0 =	sne.s32 s23, s13;
	[sflag:s14] =	ssyncset.done $0x0  }
.Ltmp3:
0x83: {  	[sflag:s14] =	ssyncadd.s32 $0xFFFFD8F0;
	(pc) =	sbr.rel @p0 .LBB2_1-.Ltmp3, $4  }
0x84: {  	[hbm4b:s12+s2] =	stream.linear.scatter [tilespmem:s22], [sflag:$0x1], $0x2710, $0x38;
	[tilespmem:$0x10500] =	vst v63  }
0x85: {  	_ =	swait.ge [sflag:s14], $0x2710  }
0x86: {  	[sflag:s14] =	ssyncset.done $0x0  }
0x87: {  	[sflag:s14] =	ssyncadd.s32 $0xFFFFD8F0  }
0x88: {  	_ =	sfence.sel $0x180000  }
0x89: {  	[bflag:$0x0] =	sbarrier.arrive $0xFFFF  }
0x8a: {  	p0 =	sne.s32 s1, $0x0;
	_ =	strace $0x9000004A  }
0x8b: {  	s0 =	sadd.s32 @!p0 $0x100000, s0;
	[bflag:$0x2] =	sbarrier.arrive $0xFFFF  }
0x8c: {  	[sflag:s0] =	ssyncadd.tile.s32 @!p0 $0x1;
	_ =	shalt  }
.Lfunc_end2:
_tile_overlayer_lowered:
.L_overlay_start_2:
0x8d: {  	(tag) =	ssettag $0x2  }
0x8e: {  	s0 =	rddreg [dreg:$0x0];
	s2 =	stileid.u32  }
0x8f: {  	s1 =	rddreg [dreg:$0x1];
	p0 =	sne.s32 s2, $0x0  }
0x90: {  	s3 =	rddreg [dreg:$0x2];
	[bflag:$0x3] =	sbarrier.arrive $0xFFFF;
	s2 =	simm.s32 @!p0 $0x1C01  }
0x91: {  	[timem:s3], [sflag:s2] =	dma.local @!p0 [hbm:s0], s1  }
0x92: {  	s0 =	simm.s32 @!p0 $0x1  }
0x93: {  	_ =	swait.ge @!p0 [sflag:s0], s1  }
0x94: {  	s1 =	ssub.s32 @!p0 $0x0, s1;
	[sflag:s0] =	ssyncset.done @!p0 $0x0  }
0x95: {  	[sflag:s0] =	ssyncadd.s32 @!p0 s1  }
0x96: {  	[bflag:$0x3] =	sbarrier.arrive $0xFFFF  }
0x97: {  	_ =	shalt  }

// kernel: kernel.7.cloned.1.call-start
scs
__scs_entry_jumppad:
0x0: {  	(pc) =	sbr.rel $0x88, $3  }
0x1: {  	(tag) =	ssettag $0x0;
	lr =	simm.s32 $0x1  }
0x2: {  	[smem:$0x3F95] =	sst lr;
	_ =	strace $0xD0000000  }
0x3: {  	_ = 	snop  }
0x4: {  	_ = 	snop  }
0x5: {  	_ = 	snop  }
0x6: {  	_ = 	snop  }
0x7: {  	_ = 	snop  }
__scs_overlays_trampoline_lowered:
0x8: {  	[smem:$0x3FA4] =	sst s0  }
0x9: {  	[smem:$0x3FA5] =	sst s1  }
0xa: {  	[smem:$0x3FA6] =	sst s2  }
0xb: {  	[smem:$0x3FA7] =	sst s3  }
0xc: {  	[smem:$0x3FA8] =	sst s4  }
0xd: {  	[smem:$0x3FA9] =	sst s5  }
0xe: {  	[smem:$0x3FAA] =	sst s6  }
0xf: {  	[smem:$0x3FAB] =	sst s7  }
0x10: {  	[smem:$0x3FAC] =	sst s8  }
0x11: {  	[smem:$0x3FAD] =	sst s9;
	s0 =	simm.s32 @!p0 $0x0  }
0x12: {  	s1 =	sld [smem:$0x3F93];
	s0 =	simm.s32 @p0 $0x1  }
0x13: {  	[smem:$0x3FAE] =	sst s0;
	s0 =	simm.s32 @!p1 $0x0  }
0x14: {  	s2 =	sld [smem:$0x3F92];
	s0 =	simm.s32 @p1 $0x1  }
0x15: {  	[smem:$0x3FAF] =	sst s0;
	s0 =	simm.s32 @!p2 $0x0  }
0x16: {  	s3 =	sld [smem:$0x3FDB];
	s0 =	simm.s32 @p2 $0x1  }
0x17: {  	s4 =	simm.s32 $0x1BF5;
	[smem:$0x3FB1] =	sst s0  }
0x18: {  	s0 =	sld [smem:$0x3F94];
	_ =	swait.ge [sflag:s4], $0x0  }
0x19: {  	s7 =	sld [smem:$0x3F95]  }
0x1a: {  	s8 =	sadd.s32 $0xFFFFE003, lr  }
0x1b: {  	s9 =	sadd.s32 $0xFFFFFEF7, lr;
	s5 =	simm.s32 $0xFFFFFFFF;
	p2 =	slt.u32 s8, $0xFFFFF086  }
0x1c: {  	p1 =	slt.u32 s9, $0xF7A;
	s5 =	simm.s32 @!p2 $0x0  }
0x1d: {  	s5 =	simm.s32 @p1 $0x1;
	p0 =	seq.s32 s7, s2  }
0x1e: {  	s7 =	smul.u32 @!p0 $0xF7A, s2;
	p2 =	seq.s32 @!p0 s5, $0x0  }
0x1f: {  	s9 =	smul.u32 $0xF7A, s1;
	s8 =	simm.s32 @!p0 $0x1BF5;
	p2 =	por !p2, p0  }
0x20: {  	[sflag:s8] =	ssyncset.s32 @!p0 $0xFFFFF086;
	s6 =	sadd.s32 @!p0 s3, s7;
	s7 =	simm.s32 @!p0 $0x108  }
0x21: {  	s3 =	sadd.s32 s3, s9;
	s6 =	sadd.s32 @!p0 $0x88, s6;
	s7 =	simm.s32 @p2 $0x1082  }
0x22: {  	[simem:s7], [sflag:s8] =	dma.local @!p0 [hbm:s6], $0xF7A  }
0x23: {  	s9 =	sor.u32 $0xD0000000, s2;
	s6 =	simm.s32 $0x108;
	_ =	swait.ge @!p0 [sflag:s8], $0x0  }
0x24: {  	s3 =	sadd.s32 $0x88, s3;
	s6 =	simm.s32 @!p1 $0x1082;
	[sflag:s4] =	ssyncset.s32 $0xFFFFF086  }
0x25: {  	[simem:s6], [sflag:s4] =	dma.local [hbm:s3], $0xF7A  }
0x26: {  	[smem:$0x3F95] =	sst s1;
	(tag) =	ssettag s2;
	_ =	strace s9  }
0x27: {  	s1 =	sld [smem:$0x3FA5]  }
0x28: {  	s2 =	sld [smem:$0x3FA6]  }
0x29: {  	s4 =	sld [smem:$0x3FA8]  }
0x2a: {  	p0 =	seq.s32 s5, $0x0;
	s5 =	sld [smem:$0x3FA9]  }
0x2b: {  	s6 =	sld [smem:$0x3FAA]  }
0x2c: {  	s7 =	sld [smem:$0x3FAB]  }
0x2d: {  	s3 =	simm.s32 $0x108;
	s8 =	sld [smem:$0x3FAC]  }
0x2e: {  	s3 =	simm.s32 @!p0 $0x1082;
	s9 =	sld [smem:$0x3FAD]  }
0x2f: {  	lr =	sadd.s32 s0, s3;
	s0 =	sld [smem:$0x3FA4]  }
0x30: {  	s3 =	sld [smem:$0x3FA7]  }
0x31: {  	[smem:$0x3FB0] =	sst s10  }
0x32: {  	s10 =	sld [smem:$0x3FAE];
	_ =	sdelay $0x3  }
0x33: {  	p0 =	seq.s32 s10, $0x1;
	s10 =	sld [smem:$0x3FB0];
	_ =	sdelay $0x3  }
0x34: {  	[smem:$0x3FB0] =	sst s10  }
0x35: {  	s10 =	sld [smem:$0x3FAF];
	_ =	sdelay $0x3  }
0x36: {  	p1 =	seq.s32 s10, $0x1;
	s10 =	sld [smem:$0x3FB0];
	_ =	sdelay $0x3  }
0x37: {  	[smem:$0x3FB0] =	sst s10  }
0x38: {  	s10 =	sld [smem:$0x3FB1]  }
0x39: {  	_ = 	snop;
	(pc) =	sbr.ind lr, $3  }
0x3a: {  	_ = 	snop  }
0x3b: {  	_ = 	snop  }
0x3c: {  	p2 =	seq.s32 s10, $0x1;
	s10 =	sld [smem:$0x3FB0]  }
0x3d: {  	_ =	shalt  }
0x3e: {  	_ =	shalt  }
0x3f: {  	_ =	shalt  }
0x40: {  	_ =	shalt  }
0x41: {  	_ =	shalt  }
0x42: {  	_ =	shalt  }
0x43: {  	_ =	shalt  }
0x44: {  	_ =	shalt  }
0x45: {  	_ =	shalt  }
0x46: {  	_ =	shalt  }
0x47: {  	_ =	shalt  }
0x48: {  	_ =	shalt  }
0x49: {  	_ =	shalt  }
0x4a: {  	_ =	shalt  }
0x4b: {  	_ =	shalt  }
0x4c: {  	_ =	shalt  }
0x4d: {  	_ =	shalt  }
0x4e: {  	_ =	shalt  }
0x4f: {  	_ =	shalt  }
0x50: {  	_ =	shalt  }
0x51: {  	_ =	shalt  }
0x52: {  	_ =	shalt  }
0x53: {  	_ =	shalt  }
0x54: {  	_ =	shalt  }
0x55: {  	_ =	shalt  }
0x56: {  	_ =	shalt  }
0x57: {  	_ =	shalt  }
0x58: {  	_ =	shalt  }
0x59: {  	_ =	shalt  }
0x5a: {  	_ =	shalt  }
0x5b: {  	_ =	shalt  }
0x5c: {  	_ =	shalt  }
0x5d: {  	_ =	shalt  }
0x5e: {  	_ =	shalt  }
0x5f: {  	_ =	shalt  }
0x60: {  	_ =	shalt  }
0x61: {  	_ =	shalt  }
0x62: {  	_ =	shalt  }
0x63: {  	_ =	shalt  }
0x64: {  	_ =	shalt  }
0x65: {  	_ =	shalt  }
0x66: {  	_ =	shalt  }
0x67: {  	_ =	shalt  }
0x68: {  	_ =	shalt  }
0x69: {  	_ =	shalt  }
0x6a: {  	_ =	shalt  }
0x6b: {  	_ =	shalt  }
0x6c: {  	_ =	shalt  }
0x6d: {  	_ =	shalt  }
0x6e: {  	_ =	shalt  }
0x6f: {  	_ =	shalt  }
0x70: {  	_ =	shalt  }
0x71: {  	_ =	shalt  }
0x72: {  	_ =	shalt  }
0x73: {  	_ =	shalt  }
0x74: {  	_ =	shalt  }
0x75: {  	_ =	shalt  }
0x76: {  	_ =	shalt  }
0x77: {  	_ =	shalt  }
0x78: {  	_ =	shalt  }
0x79: {  	_ =	shalt  }
0x7a: {  	_ =	shalt  }
0x7b: {  	_ =	shalt  }
0x7c: {  	_ =	shalt  }
0x7d: {  	_ =	shalt  }
0x7e: {  	_ =	shalt  }
0x7f: {  	_ =	shalt  }
0x80: {  	_ =	shalt  }
0x81: {  	_ =	shalt  }
0x82: {  	_ =	shalt  }
0x83: {  	_ =	shalt  }
0x84: {  	_ =	shalt  }
0x85: {  	_ =	shalt  }
0x86: {  	_ =	shalt  }
0x87: {  	_ =	shalt  }
.Lfunc_end0:
.L_simem_size_0:
called_computation_lowered:
.L_overlay_start_0:
0x88: {  	s2 =	sld [smem:$0x3FD9]  }
0x89: {  	s3 =	sld [smem:$0x3FFE];
	_ =	sdelay $0x1  }
0x8a: {  	s1 =	srdreg.scid  }
0x8b: {  	s0 =	sand.u32 $0x1, s1  }
0x8c: {  	s16 =	sshll.u32 s0, $0xA;
	s2 =	sadd.s32 s3, s2  }
0x8d: {  	s2 =	sadd.s32 s2, s16  }
0x8e: {  	[smem:$0x3FBC] =	sst s2  }
0x8f: {  	_ = 	snop  }
0x90: {  	(tm) =	ssettm $0x1  }
0x91: {  	s17 =	sld [smem:$0x3FFB];
	_ =	sdelay $0x3  }
0x92: {  	_ =	strace s17  }
0x93: {  	s2 =	sld [smem:$0x3FFC];
	_ =	sdelay $0x3  }
0x94: {  	_ =	strace s2  }
0x95: {  	s2 =	sld [smem:$0x3FFD];
	_ =	sdelay $0x3  }
0x96: {  	_ =	strace s2  }
0x97: {  	_ =	strace $0x8FFFFFFF  }
0x98: {  	s18 =	sld [smem:$0x3FDB];
	_ =	sdelay $0x1  }
0x99: {  	s19 =	simm.s32 $_scs_section_size  }
0x9a: {  	s4 =	simm.s32 $_size__tile_overlayer_lowered;
	s5 =	simm.s32 $_tile_overlayer_lowered  }
0x9b: {  	s22 =	simm.s32 $0x1BFF;
	s21 =	sshll.u32 s5, $0x1;
	s2 =	sadd.s32 s19, s18  }
0x9c: {  	s6 =	simm.s32 $0x0;
	s20 =	sshll.u32 s4, $0x1;
	s4 =	sadd.s32 s21, s2  }
0x9d: {  	[timem:s6], [sflag:s22] =	dma.local [hbm:s4], s20  }
0x9e: {  	_ =	swait.ge [sflag:s22], s20  }
0x9f: {  	s3 =	ssub.s32 $0x0, s20;
	[sflag:s22] =	ssyncset.done $0x0  }
0xa0: {  	[sflag:s22] =	ssyncadd.s32 s3;
	_ =	sdelay $0x1  }
0xa1: {  	s23 =	simm.s32 $0x1B8B  }
0xa2: {  	_ =	swait.ge [sflag:s23], $0x1  }
0xa3: {  	[sflag:s23] =	ssyncset.done $0x0  }
0xa4: {  	s25 =	simm.s32 $0x1B8E;
	s24 =	sld [smem:$0x3FFE];
	[sflag:s23] =	ssyncadd.s32 $0xFFFFFFFF  }
0xa5: {  	s26 =	simm.s32 $execute0_lowered;
	[smem:$0x3FD2] =	sst s25  }
0xa6: {  	s4 =	sshll.u32 s26, $0x1;
	_ =	strace $0x80000046;
	[dreg:$0x1] =	wrdreg $0xFFFFFFFF  }
0xa7: {  	s28 =	simm.s32 $_size_execute0_lowered;
	s2 =	sadd.s32 s2, s4;
	[dreg:$0x0] =	wrdreg $0x0  }
0xa8: {  	s4 =	sshll.u32 s28, $0x1;
	[dreg:$0x2] =	wrdreg s2  }
0xa9: {  	[dreg:$0x3] =	wrdreg s4  }
0xaa: {  	[dreg:$0x4] =	wrdreg $0xC0  }
0xab: {  	_ =	task [dreg:s6], $0x5FFFF  }
0xac: {  	[dreg:$0x1] =	wrdreg $0xFFFFFFFF  }
0xad: {  	[dreg:$0x0] =	wrdreg $0x60  }
0xae: {  	[dreg:$0x2] =	wrdreg s24  }
0xaf: {  	[dreg:$0x3] =	wrdreg $0x9  }
0xb0: {  	_ =	task.clear_ibuf [dreg:s6], $0x4FFFF;
	_ =	strace $0x90000046  }
0xb1: {  	s29 =	simm.s32 $0x9;
	_ =	strace $0x80000048  }
0xb2: {  	_ =	swait.ge [sflag:s29], $0x1  }
0xb3: {  	[sflag:s29] =	ssyncadd.s32 $0xFFFFFFFF  }
0xb4: {  	_ =	strace $0x90000048  }
0xb5: {  	_ =	sfence  }
0xb6: {  	s30 =	sld [smem:$0x0];
	_ =	sdelay $0x2  }
0xb7: {  	s31 =	sshll.u32 s1, $0xD;
	s1 =	sshrl.u32 s1, $0x2  }
0xb8: {  	s3 =	sand.u32 $0x4000, s31;
	s1 =	sadd.s32 s1, s30  }
0xb9: {  	s0 =	sor.u32 s3, s0;
	s1 =	sshll.u32 s1, $0x11  }
0xba: {  	s0 =	sor.u32 s1, s0  }
0xbb: {  	s0 =	sadd.s32 $0x8F2B, s0  }
0xbc: {  	[sflag:s0] =	ssyncadd.remote.s32 $0x1  }
0xbd: {  	_ =	sfence.sel $0xFFFF  }
0xbe: {  	[dreg:$0x0] =	wrdreg $0xFFFFFFFF;
	(pc) =	sbr.abs _section_cstart, $3  }
0xbf: {  	[dreg:$0x1] =	wrdreg $0xFFFFFFFF  }
0xc0: {  	_ =	task.clear_ibuf [dreg:s6], $0x2FFFF;
	_ =	strace $0x9FFFFFFF  }
0xc1: {  	(tm) =	ssettm $0x7FFFFFFF  }
tec
execute0_lowered:
.L_overlay_start_1:
0x0: {  	(tag) =	ssettag $0x1  }
0x1: {  	s0 =	rddreg [dreg:$0x0]  }
0x2: {  	s2 =	simm.s32 $0x0;
	s1 =	srdreg.scid;
	s3 =	stileid.u32  }
0x3: {  	s18 =	simm.s32 $0xA0;
	s19 =	simm.s32 $0x1;
	s20 =	simm.s32 $0x3  }
0x4: {  	s21 =	simm.s32 $0x50;
	s22 =	simm.s32 $0x140;
	s23 =	simm.s32 $0x2940  }
0x5: {  	s24 =	simm.s32 $0xF0;
	s30 =	simm.s32 $0x5;
	s31 =	simm.s32 $0x7  }
0x6: {  	[smem:$0x7FF] =	sst s2;
	s1 =	sand.u32 $0x1, s1;
	s4 =	sshll.u32 s3, $0x1  }
0x7: {  	s3 =	sadd.s32 $0x15000, s0;
	s5 =	sadd.s32 $0x32800, s0;
	s9 =	sor.u32 s1, s4  }
0x8: {  	s6 =	sadd.s32 $0x28A00, s0;
	s7 =	sadd.s32 $0x3C600, s0;
	s10 =	smul.u32 $0x2710, s9  }
0x9: {  	_ =	strace $0x80000047;
	s25 =	ssub.s32 $0x2, s1;
	s8 =	smul.u32 $0x1388, s9  }
0xa: {  	s4 =	sadd.s32 $0x1600, s0;
	s1 =	sshrl.u32 s25, $0x1;
	s9 =	smul.u32 $0x9C400, s9  }
0xb: {  	s0 =	ssub.s32 s25, s1;
	s25 =	simm.s32 $0x2;
	s11 =	sshrl.u32 s10, $0x3  }
0xc: {  	s13 =	sadd.s32 $0xA0, s10;
	s29 =	sshrl.u32 s9, $0x3;
	s14 =	sadd.s32 $0x28, s8  }
0xd: {  	s15 =	sadd.s32 $0xF0, s10;
	s0 =	smax.u32 s0, $0x1;
	s9 =	simm.s32 $0x6  }
0xe: {  	s10 =	simm.s32 $0x8;
	s12 =	sadd.s32 s5, s11;
	[dreg:$0x7] =	wrdreg s0  }
0xf: {  	s26 =	sadd.s32 $0xA, s11;
	s11 =	sadd.s32 s6, s11;
	[dreg:$0x2] =	wrdreg s12  }
0x10: {  	s0 =	simm.s32 $0x5140;
	[dreg:$0x3] =	wrdreg s11;
	s1 =	sadd.s32 s6, s26  }
0x11: {  	s28 =	sadd.s32 s5, s26;
	[dreg:$0x5] =	wrdreg s1;
	s1 =	sadd.s32 s7, s29  }
0x12: {  	s26 =	simm.s32 $0x4;
	[dreg:$0x4] =	wrdreg s28;
	s1 =	sadd.s32 $0x13600, s1  }
0x13: {  	s12 =	simm.s32 $0x0;
	[dreg:$0x6] =	wrdreg s1;
	s1 =	simm.s32 $0x9  }
.LBB2_1:
0x14: {  	[dreg:$0x8] =	wrdreg s12  }
0x15: {  	s11 =	rddreg [dreg:$0x2]  }
0x16: {  	[tilespmem:s2], [sflag:$0x1] =	stream.linear.gather [hbm4b:s11+s2], $0x50, $0x38;
	[tilespmem:$0x7940] =	vst v63  }
0x17: {  	s17 =	rddreg [dreg:$0x3]  }
0x18: {  	[tilespmem:s18], [sflag:$0x3] =	stream.linear.gather [hbm4b:s17+s2], $0x50, $0x38;
	[tilespmem:$0x7940] =	vst v63  }
0x19: {  	_ =	swait.ge [sflag:s19], $0x50  }
0x1a: {  	[sflag:s19] =	ssyncset.done $0x0  }
0x1b: {  	[sflag:s19] =	ssyncadd.s32 $0xFFFFFFB0  }
0x1c: {  	_ =	swait.ge [sflag:s20], $0x50  }
0x1d: {  	[sflag:s20] =	ssyncset.done $0x0  }
0x1e: {  	[sflag:s20] =	ssyncadd.s32 $0xFFFFFFB0  }
0x1f: {  	[tilespmem:s22], [sflag:$0x5] =	stream.indirect.gather [hbm4b:s3+s21], $0x40, s2, s21, $0xb8;
	[tilespmem:$0x7940] =	vst v63  }
0x20: {  	_ = 	snop  }
0x21: {  	[tilespmem:s23], [sflag:$0x7] =	stream.indirect.gather [hbm4b:s4+s21], $0x40, s18, s21, $0xb8;
	[tilespmem:$0x7940] =	vst v63  }
0x22: {  	s28 =	rddreg [dreg:$0x4]  }
0x23: {  	[tilespmem:s21], [sflag:$0x2] =	stream.linear.gather [hbm4b:s28+s2], $0x50, $0x38;
	[tilespmem:$0x7940] =	vst v63  }
0x24: {  	s16 =	simm.s32 $0x0;
	s29 =	rddreg [dreg:$0x5]  }
0x25: {  	[tilespmem:s24], [sflag:$0x4] =	stream.linear.gather [hbm4b:s29+s2], $0x50, $0x38;
	[tilespmem:$0x7940] =	vst v63  }
.LBB2_2:
0x26: {  	_ =	swait.ge [sflag:s25], $0x50  }
0x27: {  	[sflag:s25] =	ssyncset.done $0x0  }
0x28: {  	[sflag:s25] =	ssyncadd.s32 $0xFFFFFFB0  }
0x29: {  	_ =	swait.ge [sflag:s26], $0x50  }
0x2a: {  	[sflag:s26] =	ssyncset.done $0x0  }
0x2b: {  	s11 =	simm.s32 $0x1540;
	[sflag:s26] =	ssyncadd.s32 $0xFFFFFFB0  }
0x2c: {  	[tilespmem:s11], [sflag:$0x6] =	stream.indirect.gather [hbm4b:s3+s21], $0x40, s21, s21, $0xb8;
	[tilespmem:$0x7940] =	vst v63  }
0x2d: {  	s29 =	simm.s32 $0x3D40  }
0x2e: {  	[tilespmem:s29], [sflag:$0x8] =	stream.indirect.gather [hbm4b:s4+s21], $0x40, s24, s21, $0xb8;
	[tilespmem:$0x7940] =	vst v63  }
0x2f: {  	_ =	swait.ge [sflag:s30], $0x1400  }
0x30: {  	[sflag:s30] =	ssyncset.done $0x0  }
0x31: {  	[sflag:s30] =	ssyncadd.s32 $0xFFFFEC00  }
0x32: {  	_ =	swait.ge [sflag:s31], $0x1400  }
0x33: {  	[sflag:s31] =	ssyncset.done $0x0  }
0x34: {  	s12 =	simm.s32 $0x0;
	[sflag:s31] =	ssyncadd.s32 $0xFFFFEC00  }
0x35: {  	v0 =	vld [tilespmem:s12+$0x1B0]  }
0x36: {  	v1 =	vld [tilespmem:s12+$0x29B0]  }
0x37: {  	v2 =	vld [tilespmem:s12+$0x140]  }
0x38: {  	v3 =	vld [tilespmem:s12+$0x2940]  }
0x39: {  	v4 =	vld [tilespmem:s12+$0x150]  }
0x3a: {  	v5 =	vld [tilespmem:s12+$0x2950]  }
0x3b: {  	v6 =	vld [tilespmem:s12+$0x160]  }
0x3c: {  	v7 =	vld [tilespmem:s12+$0x170]  }
0x3d: {  	v0 =	vadd.bf16 v1, v0;
	v1 =	vld [tilespmem:s12+$0x2960]  }
0x3e: {  	v8 =	vld [tilespmem:s12+$0x2970]  }
0x3f: {  	v9 =	vld [tilespmem:s12+$0x2980];
	v2 =	vadd.bf16 v3, v2  }
0x40: {  	[tilespmem:s12+$0x51B0] =	vst v0;
	v0 =	vadd.bf16 v5, v4;
	v5 =	vld [tilespmem:s12+$0x180]  }
0x41: {  	v3 =	vld [tilespmem:s12+$0x2990];
	[tilespmem:s12+$0x5140] =	vst v2  }
0x42: {  	v2 =	vld [tilespmem:s12+$0x190];
	[tilespmem:s12+$0x5150] =	vst v0;
	v0 =	vadd.bf16 v1, v6  }
0x43: {  	v4 =	vld [tilespmem:s12+$0x29A0];
	v6 =	vadd.bf16 v8, v7  }
0x44: {  	s17 =	simm.s32 $0x80;
	[tilespmem:s12+$0x5160] =	vst v0;
	v0 =	vld [tilespmem:s12+$0x1A0]  }
0x45: {  	s28 =	simm.s32 $0x400;
	v5 =	vadd.bf16 v9, v5;
	v1 =	vld [tilespmem:s17+$0x1B0];
	[tilespmem:s12+$0x5170] =	vst v6  }
.LBB2_3:
0x46: {  	p0 =	sne.s32 s28, $0x4E00;
	v6 =	vld [tilespmem:s17+$0x29B0]  }
0x47: {  	v7 =	vld [tilespmem:s17+$0x140];
	[tilespmem:s12+$0x5180] =	vst v5;
	v2 =	vadd.bf16 v3, v2  }
0x48: {  	v3 =	vld [tilespmem:s17+$0x2940]  }
0x49: {  	v5 =	vld [tilespmem:s17+$0x150];
	[tilespmem:s12+$0x5190] =	vst v2;
	v0 =	vadd.bf16 v4, v0  }
0x4a: {  	v2 =	vld [tilespmem:s17+$0x2950]  }
0x4b: {  	v4 =	vld [tilespmem:s17+$0x160];
	v1 =	vadd.bf16 v6, v1;
	[tilespmem:s12+$0x51A0] =	vst v0;
	s12 =	smov.u32 s17  }
0x4c: {  	v0 =	vld [tilespmem:s12+$0x2960]  }
0x4d: {  	v3 =	vadd.bf16 v3, v7;
	v6 =	vld [tilespmem:s12+$0x170];
	[tilespmem:s12+$0x51B0] =	vst v1  }
0x4e: {  	v1 =	vld [tilespmem:s12+$0x2970]  }
0x4f: {  	[tilespmem:s12+$0x5140] =	vst v3;
	v2 =	vadd.bf16 v2, v5;
	v5 =	vld [tilespmem:s12+$0x180]  }
0x50: {  	v7 =	vld [tilespmem:s12+$0x2980]  }
.Ltmp0:
0x51: {  	[tilespmem:s12+$0x5150] =	vst v2;
	v0 =	vadd.bf16 v0, v4;
	v2 =	vld [tilespmem:s12+$0x190];
	(pc) =	sbr.rel @p0 .LBB2_3-.Ltmp0, $4  }
0x52: {  	v3 =	vld [tilespmem:s12+$0x2990]  }
0x53: {  	[tilespmem:s12+$0x5160] =	vst v0;
	v6 =	vadd.bf16 v1, v6;
	v0 =	vld [tilespmem:s12+$0x1A0]  }
0x54: {  	s17 =	sshra.s32 s28, $0x2;
	v4 =	vld [tilespmem:s12+$0x29A0]  }
0x55: {  	s28 =	sadd.s32 $0x200, s28;
	v1 =	vld [tilespmem:s17+$0x1B0];
	[tilespmem:s12+$0x5170] =	vst v6;
	v5 =	vadd.bf16 v7, v5  }
0x56: {  	v6 =	vld [tilespmem:s17+$0x29B0]  }
0x57: {  	v7 =	vld [tilespmem:s17+$0x140];
	[tilespmem:s12+$0x5180] =	vst v5;
	v2 =	vadd.bf16 v3, v2  }
0x58: {  	v3 =	vld [tilespmem:s17+$0x2940]  }
0x59: {  	v5 =	vld [tilespmem:s17+$0x150];
	[tilespmem:s12+$0x5190] =	vst v2;
	v0 =	vadd.bf16 v4, v0  }
0x5a: {  	v2 =	vld [tilespmem:s17+$0x2950]  }
0x5b: {  	v4 =	vld [tilespmem:s17+$0x160];
	[tilespmem:s12+$0x51A0] =	vst v0  }
0x5c: {  	v0 =	vadd.bf16 v6, v1;
	v1 =	vld [tilespmem:s17+$0x2960]  }
0x5d: {  	v6 =	vld [tilespmem:s17+$0x170]  }
0x5e: {  	v3 =	vadd.bf16 v3, v7;
	[tilespmem:s17+$0x51B0] =	vst v0;
	v0 =	vld [tilespmem:s17+$0x2970]  }
0x5f: {  	v7 =	vld [tilespmem:s17+$0x29A0]  }
0x60: {  	[tilespmem:s17+$0x5140] =	vst v3;
	v2 =	vadd.bf16 v2, v5;
	v3 =	vld [tilespmem:s17+$0x180]  }
0x61: {  	v5 =	vld [tilespmem:s17+$0x2980]  }
0x62: {  	[tilespmem:s17+$0x5150] =	vst v2;
	v1 =	vadd.bf16 v1, v4;
	v2 =	vld [tilespmem:s17+$0x190]  }
0x63: {  	v4 =	vld [tilespmem:s17+$0x2990]  }
0x64: {  	[tilespmem:s17+$0x5160] =	vst v1;
	v1 =	vld [tilespmem:s17+$0x1A0];
	_ =	sdelay $0x1  }
0x65: {  	v0 =	vadd.bf16 v0, v6  }
0x66: {  	s12 =	smul.u32 $0x50, s16;
	v3 =	vadd.bf16 v5, v3  }
0x67: {  	[tilespmem:s17+$0x5170] =	vst v0;
	v0 =	vadd.bf16 v4, v2  }
0x68: {  	s11 =	sadd.s32 s8, s12;
	[tilespmem:s17+$0x5180] =	vst v3;
	v1 =	vadd.bf16 v7, v1  }
0x69: {  	s11 =	sshll.u32 s11, $0x4;
	[tilespmem:s17+$0x5190] =	vst v0  }
0x6a: {  	s28 =	simm.s32 $0x0;
	s11 =	sadd.s32 s7, s11;
	[tilespmem:s17+$0x51A0] =	vst v1;
	s17 =	smul.u32 $0xA0, s16  }
0x6b: {  	[hbm4b:s11+s28] =	stream.linear.scatter [tilespmem:s0], [sflag:$0x9], $0x1400, $0x38;
	[tilespmem:$0x7940] =	vst v63  }
0x6c: {  	_ =	swait.ge [sflag:s1], $0x1400;
	s11 =	sadd.s32 s17, s13  }
0x6d: {  	[sflag:s1] =	ssyncset.done $0x0;
	s11 =	sshrl.u32 s11, $0x3  }
0x6e: {  	[sflag:s1] =	ssyncadd.s32 $0xFFFFEC00;
	s29 =	sadd.s32 s5, s11  }
0x6f: {  	[tilespmem:s28], [sflag:$0x1] =	stream.linear.gather [hbm4b:s29+s28], $0x50, $0x38;
	[tilespmem:$0x7940] =	vst v63  }
0x70: {  	s11 =	sadd.s32 s6, s11  }
0x71: {  	[tilespmem:s18], [sflag:$0x3] =	stream.linear.gather [hbm4b:s11+s28], $0x50, $0x38;
	[tilespmem:$0x7940] =	vst v63  }
0x72: {  	_ =	swait.ge [sflag:s19], $0x50  }
0x73: {  	[sflag:s19] =	ssyncset.done $0x0  }
0x74: {  	[sflag:s19] =	ssyncadd.s32 $0xFFFFFFB0  }
0x75: {  	_ =	swait.ge [sflag:s20], $0x50  }
0x76: {  	[sflag:s20] =	ssyncset.done $0x0  }
0x77: {  	[sflag:s20] =	ssyncadd.s32 $0xFFFFFFB0  }
0x78: {  	[tilespmem:s22], [sflag:$0x5] =	stream.indirect.gather [hbm4b:s3+s21], $0x40, s28, s21, $0xb8;
	[tilespmem:$0x7940] =	vst v63  }
0x79: {  	_ = 	snop  }
0x7a: {  	[tilespmem:s23], [sflag:$0x7] =	stream.indirect.gather [hbm4b:s4+s21], $0x40, s18, s21, $0xb8;
	[tilespmem:$0x7940] =	vst v63  }
0x7b: {  	_ =	swait.ge [sflag:s9], $0x1400  }
0x7c: {  	[sflag:s9] =	ssyncset.done $0x0  }
0x7d: {  	[sflag:s9] =	ssyncadd.s32 $0xFFFFEC00  }
0x7e: {  	_ =	swait.ge [sflag:s10], $0x1400  }
0x7f: {  	[sflag:s10] =	ssyncset.done $0x0  }
0x80: {  	s28 =	simm.s32 $0x0;
	[sflag:s10] =	ssyncadd.s32 $0xFFFFEC00  }
0x81: {  	v0 =	vld [tilespmem:s28+$0x15B0]  }
0x82: {  	v1 =	vld [tilespmem:s28+$0x3DB0]  }
0x83: {  	v2 =	vld [tilespmem:s28+$0x1540]  }
0x84: {  	v3 =	vld [tilespmem:s28+$0x3D40]  }
0x85: {  	v4 =	vld [tilespmem:s28+$0x1550]  }
0x86: {  	v5 =	vld [tilespmem:s28+$0x3D50]  }
0x87: {  	v6 =	vld [tilespmem:s28+$0x1560]  }
0x88: {  	v7 =	vld [tilespmem:s28+$0x1570]  }
0x89: {  	v0 =	vadd.bf16 v1, v0;
	v1 =	vld [tilespmem:s28+$0x3D60]  }
0x8a: {  	v8 =	vld [tilespmem:s28+$0x3D70]  }
0x8b: {  	v9 =	vld [tilespmem:s28+$0x3D80];
	v2 =	vadd.bf16 v3, v2  }
0x8c: {  	[tilespmem:s28+$0x65B0] =	vst v0;
	v0 =	vadd.bf16 v5, v4;
	v5 =	vld [tilespmem:s28+$0x1580]  }
0x8d: {  	v3 =	vld [tilespmem:s28+$0x3D90];
	[tilespmem:s28+$0x6540] =	vst v2  }
0x8e: {  	v2 =	vld [tilespmem:s28+$0x1590];
	[tilespmem:s28+$0x6550] =	vst v0;
	v0 =	vadd.bf16 v1, v6  }
0x8f: {  	v4 =	vld [tilespmem:s28+$0x3DA0];
	v6 =	vadd.bf16 v8, v7  }
0x90: {  	s29 =	simm.s32 $0x80;
	[tilespmem:s28+$0x6560] =	vst v0;
	v0 =	vld [tilespmem:s28+$0x15A0]  }
0x91: {  	s11 =	simm.s32 $0x400;
	v5 =	vadd.bf16 v9, v5;
	v1 =	vld [tilespmem:s29+$0x15B0];
	[tilespmem:s28+$0x6570] =	vst v6  }
.LBB2_5:
0x92: {  	p0 =	sne.s32 s11, $0x4E00;
	v6 =	vld [tilespmem:s29+$0x3DB0]  }
0x93: {  	v7 =	vld [tilespmem:s29+$0x1540];
	[tilespmem:s28+$0x6580] =	vst v5;
	v2 =	vadd.bf16 v3, v2  }
0x94: {  	v3 =	vld [tilespmem:s29+$0x3D40]  }
0x95: {  	v5 =	vld [tilespmem:s29+$0x1550];
	[tilespmem:s28+$0x6590] =	vst v2;
	v0 =	vadd.bf16 v4, v0  }
0x96: {  	v2 =	vld [tilespmem:s29+$0x3D50]  }
0x97: {  	v4 =	vld [tilespmem:s29+$0x1560];
	v1 =	vadd.bf16 v6, v1;
	[tilespmem:s28+$0x65A0] =	vst v0;
	s28 =	smov.u32 s29  }
0x98: {  	v0 =	vld [tilespmem:s28+$0x3D60]  }
0x99: {  	v3 =	vadd.bf16 v3, v7;
	v6 =	vld [tilespmem:s28+$0x1570];
	[tilespmem:s28+$0x65B0] =	vst v1  }
0x9a: {  	v1 =	vld [tilespmem:s28+$0x3D70]  }
0x9b: {  	[tilespmem:s28+$0x6540] =	vst v3;
	v2 =	vadd.bf16 v2, v5;
	v5 =	vld [tilespmem:s28+$0x1580]  }
0x9c: {  	v7 =	vld [tilespmem:s28+$0x3D80]  }
.Ltmp1:
0x9d: {  	[tilespmem:s28+$0x6550] =	vst v2;
	v0 =	vadd.bf16 v0, v4;
	v2 =	vld [tilespmem:s28+$0x1590];
	(pc) =	sbr.rel @p0 .LBB2_5-.Ltmp1, $4  }
0x9e: {  	v3 =	vld [tilespmem:s28+$0x3D90]  }
0x9f: {  	[tilespmem:s28+$0x6560] =	vst v0;
	v6 =	vadd.bf16 v1, v6;
	v0 =	vld [tilespmem:s28+$0x15A0]  }
0xa0: {  	s29 =	sshra.s32 s11, $0x2;
	v4 =	vld [tilespmem:s28+$0x3DA0]  }
0xa1: {  	s11 =	sadd.s32 $0x200, s11;
	v1 =	vld [tilespmem:s29+$0x15B0];
	[tilespmem:s28+$0x6570] =	vst v6;
	v5 =	vadd.bf16 v7, v5  }
0xa2: {  	v6 =	vld [tilespmem:s29+$0x3DB0]  }
0xa3: {  	v7 =	vld [tilespmem:s29+$0x1540];
	[tilespmem:s28+$0x6580] =	vst v5;
	v2 =	vadd.bf16 v3, v2  }
0xa4: {  	v51 =	vld [tilespmem:s29+$0x3D40]  }
0xa5: {  	v5 =	vld [tilespmem:s29+$0x1550];
	[tilespmem:s28+$0x6590] =	vst v2;
	v0 =	vadd.bf16 v4, v0  }
0xa6: {  	v2 =	vld [tilespmem:s29+$0x3D50]  }
0xa7: {  	v52 =	vld [tilespmem:s29+$0x1560];
	[tilespmem:s28+$0x65A0] =	vst v0  }
0xa8: {  	v54 =	vld [tilespmem:s29+$0x3D60]  }
0xa9: {  	v55 =	vld [tilespmem:s29+$0x1570]  }
0xaa: {  	v56 =	vld [tilespmem:s29+$0x3D70]  }
0xab: {  	v57 =	vld [tilespmem:s29+$0x1580]  }
0xac: {  	v58 =	vld [tilespmem:s29+$0x3D80]  }
0xad: {  	v59 =	vld [tilespmem:s29+$0x1590]  }
0xae: {  	v53 =	vadd.bf16 v6, v1;
	v60 =	vld [tilespmem:s29+$0x3D90]  }
0xaf: {  	v61 =	vld [tilespmem:s29+$0x15A0];
	v3 =	vadd.bf16 v51, v7  }
0xb0: {  	v62 =	vld [tilespmem:s29+$0x3DA0];
	[tilespmem:s29+$0x65B0] =	vst v53;
	v2 =	vadd.bf16 v2, v5  }
0xb1: {  	[tilespmem:s29+$0x6540] =	vst v3;
	v1 =	vadd.bf16 v54, v52  }
0xb2: {  	[tilespmem:s29+$0x6550] =	vst v2;
	v0 =	vadd.bf16 v56, v55  }
0xb3: {  	v3 =	vadd.bf16 v58, v57;
	[tilespmem:s29+$0x6560] =	vst v1  }
0xb4: {  	s11 =	sadd.s32 s12, s14;
	v63 =	vadd.bf16 v60, v59;
	[tilespmem:s29+$0x6570] =	vst v0  }
0xb5: {  	s11 =	sshll.u32 s11, $0x4;
	[tilespmem:s29+$0x6580] =	vst v3;
	v1 =	vadd.bf16 v62, v61  }
0xb6: {  	p0 =	seq.s32 s16, $0x3D;
	s11 =	sand.u32 $0x1FFFFF80, s11;
	[tilespmem:s29+$0x6590] =	vst v63  }
.Ltmp2:
0xb7: {  	s11 =	sadd.s32 s7, s11;
	[tilespmem:s29+$0x65A0] =	vst v1;
	s29 =	simm.s32 $0x6540;
	(pc) =	sbr.rel @p0 .LBB2_8-.Ltmp2, $4  }
0xb8: {  	[hbm4b:s11+s2] =	stream.linear.scatter [tilespmem:s29], [sflag:$0x9], $0x1400, $0x38;
	[tilespmem:$0x7940] =	vst v63  }
0xb9: {  	_ =	swait.ge [sflag:s1], $0x1400  }
0xba: {  	[sflag:s1] =	ssyncset.done $0x0  }
0xbb: {  	[sflag:s1] =	ssyncadd.s32 $0xFFFFEC00  }
0xbc: {  	s11 =	sadd.s32 s17, s15  }
.Ltmp3:
0xbd: {  	s11 =	sshrl.u32 s11, $0x3;
	(pc) =	sbr.rel .LBB2_2-.Ltmp3, $4  }
0xbe: {  	s12 =	sadd.s32 s5, s11  }
0xbf: {  	[tilespmem:s21], [sflag:$0x2] =	stream.linear.gather [hbm4b:s12+s2], $0x50, $0x38;
	[tilespmem:$0x7940] =	vst v63  }
0xc0: {  	s16 =	sadd.s32 $0x1, s16;
	s11 =	sadd.s32 s6, s11  }
0xc1: {  	[tilespmem:s24], [sflag:$0x4] =	stream.linear.gather [hbm4b:s11+s2], $0x50, $0x38;
	[tilespmem:$0x7940] =	vst v63  }
.LBB2_8:
0xc2: {  	_ =	swait.ge [sflag:s30], $0x1400  }
0xc3: {  	[sflag:s30] =	ssyncset.done $0x0  }
0xc4: {  	[sflag:s30] =	ssyncadd.s32 $0xFFFFEC00  }
0xc5: {  	_ =	swait.ge [sflag:s31], $0x1400  }
0xc6: {  	[sflag:s31] =	ssyncset.done $0x0  }
0xc7: {  	s12 =	simm.s32 $0x0;
	[sflag:s31] =	ssyncadd.s32 $0xFFFFEC00  }
0xc8: {  	v0 =	vld [tilespmem:s12+$0x1B0]  }
0xc9: {  	v1 =	vld [tilespmem:s12+$0x29B0]  }
0xca: {  	v2 =	vld [tilespmem:s12+$0x140]  }
0xcb: {  	v3 =	vld [tilespmem:s12+$0x2940]  }
0xcc: {  	v4 =	vld [tilespmem:s12+$0x150]  }
0xcd: {  	v5 =	vld [tilespmem:s12+$0x2950]  }
0xce: {  	v6 =	vld [tilespmem:s12+$0x160]  }
0xcf: {  	v7 =	vld [tilespmem:s12+$0x170]  }
0xd0: {  	v0 =	vadd.bf16 v1, v0;
	v1 =	vld [tilespmem:s12+$0x2960]  }
0xd1: {  	v8 =	vld [tilespmem:s12+$0x2970]  }
0xd2: {  	v9 =	vld [tilespmem:s12+$0x2980];
	v2 =	vadd.bf16 v3, v2  }
0xd3: {  	[tilespmem:s12+$0x51B0] =	vst v0;
	v0 =	vadd.bf16 v5, v4;
	v5 =	vld [tilespmem:s12+$0x180]  }
0xd4: {  	v3 =	vld [tilespmem:s12+$0x2990];
	[tilespmem:s12+$0x5140] =	vst v2  }
0xd5: {  	v2 =	vld [tilespmem:s12+$0x190];
	[tilespmem:s12+$0x5150] =	vst v0;
	v0 =	vadd.bf16 v1, v6  }
0xd6: {  	v4 =	vld [tilespmem:s12+$0x29A0];
	v6 =	vadd.bf16 v8, v7  }
0xd7: {  	s16 =	simm.s32 $0x80;
	[tilespmem:s12+$0x5160] =	vst v0;
	v0 =	vld [tilespmem:s12+$0x1A0]  }
0xd8: {  	s11 =	simm.s32 $0x400;
	v5 =	vadd.bf16 v9, v5;
	v1 =	vld [tilespmem:s16+$0x1B0];
	[tilespmem:s12+$0x5170] =	vst v6  }
.LBB2_9:
0xd9: {  	p0 =	sne.s32 s11, $0x4E00;
	v6 =	vld [tilespmem:s16+$0x29B0]  }
0xda: {  	v7 =	vld [tilespmem:s16+$0x140];
	[tilespmem:s12+$0x5180] =	vst v5;
	v2 =	vadd.bf16 v3, v2  }
0xdb: {  	v3 =	vld [tilespmem:s16+$0x2940]  }
0xdc: {  	v5 =	vld [tilespmem:s16+$0x150];
	[tilespmem:s12+$0x5190] =	vst v2;
	v0 =	vadd.bf16 v4, v0  }
0xdd: {  	v2 =	vld [tilespmem:s16+$0x2950]  }
0xde: {  	v4 =	vld [tilespmem:s16+$0x160];
	v1 =	vadd.bf16 v6, v1;
	[tilespmem:s12+$0x51A0] =	vst v0;
	s12 =	smov.u32 s16  }
0xdf: {  	v0 =	vld [tilespmem:s12+$0x2960]  }
0xe0: {  	v3 =	vadd.bf16 v3, v7;
	v6 =	vld [tilespmem:s12+$0x170];
	[tilespmem:s12+$0x51B0] =	vst v1  }
0xe1: {  	v1 =	vld [tilespmem:s12+$0x2970]  }
0xe2: {  	[tilespmem:s12+$0x5140] =	vst v3;
	v2 =	vadd.bf16 v2, v5;
	v5 =	vld [tilespmem:s12+$0x180]  }
0xe3: {  	v7 =	vld [tilespmem:s12+$0x2980]  }
.Ltmp4:
0xe4: {  	[tilespmem:s12+$0x5150] =	vst v2;
	v0 =	vadd.bf16 v0, v4;
	v2 =	vld [tilespmem:s12+$0x190];
	(pc) =	sbr.rel @p0 .LBB2_9-.Ltmp4, $4  }
0xe5: {  	v3 =	vld [tilespmem:s12+$0x2990]  }
0xe6: {  	[tilespmem:s12+$0x5160] =	vst v0;
	v6 =	vadd.bf16 v1, v6;
	v0 =	vld [tilespmem:s12+$0x1A0]  }
0xe7: {  	s16 =	sshra.s32 s11, $0x2;
	v4 =	vld [tilespmem:s12+$0x29A0]  }
0xe8: {  	s11 =	sadd.s32 $0x200, s11;
	v1 =	vld [tilespmem:s16+$0x1B0];
	[tilespmem:s12+$0x5170] =	vst v6;
	v5 =	vadd.bf16 v7, v5  }
0xe9: {  	v6 =	vld [tilespmem:s16+$0x29B0]  }
0xea: {  	v7 =	vld [tilespmem:s16+$0x140];
	[tilespmem:s12+$0x5180] =	vst v5;
	v2 =	vadd.bf16 v3, v2  }
0xeb: {  	v51 =	vld [tilespmem:s16+$0x2940]  }
0xec: {  	v5 =	vld [tilespmem:s16+$0x150];
	[tilespmem:s12+$0x5190] =	vst v2;
	v0 =	vadd.bf16 v4, v0  }
0xed: {  	v2 =	vld [tilespmem:s16+$0x2950]  }
0xee: {  	v52 =	vld [tilespmem:s16+$0x160];
	[tilespmem:s12+$0x51A0] =	vst v0  }
0xef: {  	v54 =	vld [tilespmem:s16+$0x2960]  }
0xf0: {  	v55 =	vld [tilespmem:s16+$0x170]  }
0xf1: {  	v56 =	vld [tilespmem:s16+$0x2970]  }
0xf2: {  	v57 =	vld [tilespmem:s16+$0x180]  }
0xf3: {  	v58 =	vld [tilespmem:s16+$0x2980]  }
0xf4: {  	v59 =	vld [tilespmem:s16+$0x190]  }
0xf5: {  	v53 =	vadd.bf16 v6, v1;
	v60 =	vld [tilespmem:s16+$0x2990]  }
0xf6: {  	v61 =	vld [tilespmem:s16+$0x1A0];
	v3 =	vadd.bf16 v51, v7  }
0xf7: {  	v62 =	vld [tilespmem:s16+$0x29A0];
	[tilespmem:s16+$0x51B0] =	vst v53;
	v2 =	vadd.bf16 v2, v5  }
0xf8: {  	[tilespmem:s16+$0x5140] =	vst v3;
	v1 =	vadd.bf16 v54, v52  }
0xf9: {  	[tilespmem:s16+$0x5150] =	vst v2;
	v0 =	vadd.bf16 v56, v55  }
0xfa: {  	v3 =	vadd.bf16 v58, v57;
	[tilespmem:s16+$0x5160] =	vst v1  }
0xfb: {  	v63 =	vadd.bf16 v60, v59;
	[tilespmem:s16+$0x5170] =	vst v0  }
0xfc: {  	[tilespmem:s16+$0x5180] =	vst v3;
	v1 =	vadd.bf16 v62, v61  }
0xfd: {  	[tilespmem:s16+$0x5190] =	vst v63  }
0xfe: {  	s11 =	rddreg [dreg:$0x6];
	[tilespmem:s16+$0x51A0] =	vst v1  }
0xff: {  	[hbm4b:s11+s2] =	stream.linear.scatter [tilespmem:s0], [sflag:$0x9], $0x1400, $0x38;
	[tilespmem:$0x7940] =	vst v63  }
0x100: {  	_ =	swait.ge [sflag:s1], $0x1400  }
0x101: {  	s28 =	rddreg [dreg:$0x8]  }
0x102: {  	s29 =	rddreg [dreg:$0x7];
	s12 =	sadd.s32 $0x1, s28  }
0x103: {  	p0 =	sne.s32 s12, s29  }
.Ltmp5:
0x104: {  	_ = 	snop;
	(pc) =	sbr.rel @p0 .LBB2_1-.Ltmp5, $3  }
0x105: {  	_ =	sdelay $0x1  }
0x106: {  	[sflag:s1] =	ssyncset.done $0x0  }
0x107: {  	[sflag:s1] =	ssyncadd.s32 $0xFFFFEC00  }
0x108: {  	_ =	sfence.sel $0x180000  }
0x109: {  	[bflag:$0x0] =	sbarrier.arrive $0xFFFF  }
0x10a: {  	_ =	strace $0x90000047  }
0x10b: {  	s0 =	stileid.u32;
	[bflag:$0x2] =	sbarrier.arrive $0xFFFF  }
0x10c: {  	p0 =	sne.s32 s0, $0x0;
	s0 =	rddreg [dreg:$0x1]  }
0x10d: {  	s0 =	sadd.s32 @!p0 $0x100000, s0  }
0x10e: {  	[sflag:s0] =	ssyncadd.tile.s32 @!p0 $0x1;
	_ =	shalt  }
.Lfunc_end2:
_tile_overlayer_lowered:
.L_overlay_start_2:
0x10f: {  	(tag) =	ssettag $0x2  }
0x110: {  	s0 =	rddreg [dreg:$0x0];
	s2 =	stileid.u32  }
0x111: {  	s1 =	rddreg [dreg:$0x1];
	p0 =	sne.s32 s2, $0x0  }
0x112: {  	s3 =	rddreg [dreg:$0x2];
	[bflag:$0x3] =	sbarrier.arrive $0xFFFF;
	s2 =	simm.s32 @!p0 $0x1C09  }
0x113: {  	[timem:s3], [sflag:s2] =	dma.local @!p0 [hbm:s0], s1  }
0x114: {  	s0 =	simm.s32 @!p0 $0x9  }
0x115: {  	_ =	swait.ge @!p0 [sflag:s0], s1  }
0x116: {  	s1 =	ssub.s32 @!p0 $0x0, s1;
	[sflag:s0] =	ssyncset.done @!p0 $0x0  }
0x117: {  	[sflag:s0] =	ssyncadd.s32 @!p0 s1  }
0x118: {  	[bflag:$0x3] =	sbarrier.arrive $0xFFFF  }
0x119: {  	_ =	shalt  }

</sc_bundles>
